<compile_context>
chip_gen: v7x
topology: tpu7x:2x2x1
jax: 0.10.2.dev20260603
libtpu: 0.0.44.dev20260713+nightly
codegen_flags: <defaults>
</compile_context>

<pallas_src>
import functools
import math

import numpy as np
import jax
import jax.numpy as jnp
from jax import lax
from jax.experimental import pallas as pl
from jax.experimental.pallas import tpu as pltpu
from jax.experimental.pallas import tpu_sc as plsc



def _d2xy(n, d):
    rx = ry = 0
    x = y = 0
    t = d
    s = 1
    while s < n:
        rx = 1 & (t // 2)
        ry = 1 & (t ^ rx)
        if ry == 0:
            if rx == 1:
                x = s - 1 - x
                y = s - 1 - y
            x, y = y, x
        x += s * rx
        y += s * ry
        t //= 4
        s *= 2
    return x, y


def _hilbert_perm(seq_len):
    grid_size = int(math.ceil(math.sqrt(seq_len)))
    g = 1
    while g < grid_size:
        g *= 2
    n_levels = int(math.log2(g))
    gg = 2 ** n_levels
    hilbert_indices = []
    for d in range(gg * gg):
        x, y = _d2xy(gg, d)
        hilbert_indices.append(y * gg + x)
    valid = [idx for idx in hilbert_indices if idx < seq_len]
    if len(valid) < seq_len:
        remaining = sorted(set(range(seq_len)) - set(valid))
        valid.extend(remaining)
    return np.array(valid[:seq_len], dtype=np.int32)



def _make_sc_gather(R, D, per_w):
    CA = 16
    CB = 8
    SUP = CA + 2 * CB
    n_super = per_w // SUP
    assert per_w % SUP == 0 and n_super >= 4 and n_super % 2 == 0
    mesh = plsc.VectorSubcoreMesh(core_axis_name="c", subcore_axis_name="s")
    info = plsc.get_sparse_core_info()
    NC = info.num_cores

    @functools.partial(
        pl.kernel,
        mesh=mesh,
        out_type=jax.ShapeDtypeStruct((R, D), jnp.float32),
        scratch_types=[
            pltpu.VMEM((per_w,), jnp.int32),
            pltpu.VMEM((CA, D), jnp.float32),
            pltpu.VMEM((CA, D), jnp.float32),
            pltpu.VMEM_SHARED((16, 2, CB, D), jnp.float32),
            pltpu.SemaphoreType.DMA,
            pltpu.SemaphoreType.DMA,
            pltpu.SemaphoreType.DMA,
            pltpu.SemaphoreType.DMA,
            pltpu.SemaphoreType.DMA,
            pltpu.SemaphoreType.DMA,
            pltpu.SemaphoreType.DMA,
            pltpu.SemaphoreType.DMA,
        ],
    )
    def k(table_hbm, idx_hbm, out_hbm, idx_v, buf0, buf1, shbuf,
          ga0, ga1, wa0, wa1, gb0, gb1, wb0, wb1):
        cid = lax.axis_index("c")
        sid = lax.axis_index("s")
        base = (sid * NC + cid) * per_w
        pltpu.sync_copy(idx_hbm.at[pl.ds(base, per_w)], idx_v)

        abufs = (buf0, buf1)
        gasems = (ga0, ga1)
        wasems = (wa0, wa1)
        gbsems = (gb0, gb1)
        wbsems = (wb0, wb1)


        def astart(i, b):
            pltpu.async_copy(
                table_hbm.at[idx_v.at[pl.ds(i * SUP, CA)]], abufs[b],
                gasems[b])

        def await_(i, b):
            pltpu.make_async_copy(
                table_hbm.at[idx_v.at[pl.ds(i * SUP, CA)]], abufs[b],
                gasems[b]).wait()

        def awstart(i, b):
            pltpu.async_copy(
                abufs[b], out_hbm.at[pl.ds(base + i * SUP, CA)], wasems[b])

        def awwait(i, b):
            pltpu.make_async_copy(
                abufs[b], out_hbm.at[pl.ds(base + i * SUP, CA)],
                wasems[b]).wait()


        def bstart(i, j):
            ivec = idx_v[pl.ds(i * SUP + CA, 2 * CB)]
            for kk in range(CB):
                src = ivec[j * CB + kk]
                pltpu.async_copy(
                    table_hbm.at[pl.ds(src, 1)],
                    shbuf.at[sid, j, pl.ds(kk, 1)], gbsems[j])

        def bwait(i, j):
            pltpu.make_async_copy(
                table_hbm.at[pl.ds(0, CB)], shbuf.at[sid, j],
                gbsems[j]).wait()

        def bwstart(i, j):
            pltpu.async_copy(
                shbuf.at[sid, j],
                out_hbm.at[pl.ds(base + i * SUP + CA + j * CB, CB)],
                wbsems[j])

        def bwwait(i, j):
            pltpu.make_async_copy(
                shbuf.at[sid, j],
                out_hbm.at[pl.ds(base + i * SUP + CA + j * CB, CB)],
                wbsems[j]).wait()

        n_pairs = n_super // 2

        astart(0, 0)
        bstart(0, 0)
        bstart(0, 1)
        astart(1, 1)

        def body(ii, _):
            i0 = ii * 2
            i1 = i0 + 1

            await_(i0, 0)
            awstart(i0, 0)
            bwait(i0, 0)
            bwstart(i0, 0)
            bwait(i0, 1)
            bwstart(i0, 1)
            bwwait(i0, 0)
            bstart(i1, 0)
            bwwait(i0, 1)
            bstart(i1, 1)

            @pl.when(ii < n_pairs - 1)
            def _():
                awwait(i0, 0)
                astart(i0 + 2, 0)

            await_(i1, 1)
            awstart(i1, 1)
            bwait(i1, 0)
            bwstart(i1, 0)
            bwait(i1, 1)
            bwstart(i1, 1)

            @pl.when(ii < n_pairs - 1)
            def _():
                bwwait(i1, 0)
                bstart(i1 + 1, 0)
                bwwait(i1, 1)
                bstart(i1 + 1, 1)
                awwait(i1, 1)
                astart(i1 + 2, 1)

            return 0

        lax.fori_loop(0, n_pairs, body, 0)
        awwait(n_super - 2, 0)
        awwait(n_super - 1, 1)
        bwwait(n_super - 1, 0)
        bwwait(n_super - 1, 1)

    return k


def kernel(tensor):
    B, S, D = tensor.shape
    R = B * S
    perm = _hilbert_perm(S)
    gidx = (np.arange(B, dtype=np.int32)[:, None] * S + perm[None, :]).reshape(-1)
    gidx = jnp.asarray(gidx)

    info = plsc.get_sparse_core_info()
    NW = info.num_cores * info.num_subcores
    per_w = R // NW

    table = tensor.reshape(R, D)
    out = _make_sc_gather(R, D, per_w)(table, gidx)
    return out.reshape(B, S, D)

# --- scband reference (transcript-rebuilt; emitter-appended) ---
"""Pipeline reference for scband-hilbert-sequence-preprocessor-41171556499657 (READ-ONLY COPY).

The authoritative reference and input builder live on the scoring server;
editing this copy changes nothing except your own understanding.
"""

import jax, jax.numpy as jnp
import numpy as np
import math


def _d2xy(n, d):
    rx = ry = 0
    x = y = 0
    t = d
    s = 1
    while s < n:
        rx = 1 & (t // 2)
        ry = 1 & (t ^ rx)
        if ry == 0:
            if rx == 1:
                x = s - 1 - x
                y = s - 1 - y
            x, y = y, x
        x += s * rx
        y += s * ry
        t //= 4
        s *= 2
    return x, y


def _generate_hilbert_indices(n_levels):
    g = 2 ** n_levels
    out = []
    for d in range(g * g):
        x, y = _d2xy(g, d)
        out.append(y * g + x)
    return out


def _hilbert_forward_mapping(seq_len):
    grid_size = int(math.ceil(math.sqrt(seq_len)))
    g = 1
    while g < grid_size:
        g *= 2
    n_levels = int(math.log2(g))
    hilbert_indices = _generate_hilbert_indices(n_levels)
    valid = [idx for idx in hilbert_indices if idx < seq_len]
    if len(valid) < seq_len:
        remaining = sorted(set(range(seq_len)) - set(valid))
        valid.extend(remaining)
    return np.array(valid[:seq_len], dtype=np.int64)


def setup_inputs(seed: int = 0) -> dict:
    key = jax.random.key(seed)
    tensor = jax.random.normal(key, (4, 4096, 2048), dtype=jnp.float32)
    return {"tensor": tensor}


def reference(tensor):
    seq_len = tensor.shape[1]
    forward_mapping = jnp.asarray(_hilbert_forward_mapping(seq_len))
    # torch.index_select(tensor, dim=1, index=forward_mapping)
    return jnp.take(tensor, forward_mapping, axis=1)

if __name__ == "__main__":
    import jax
    _d = setup_inputs()
    print(jax.jit(kernel)(*tuple(_d.values())))

</pallas_src>

<mosaic_0001>
#map = affine_map<(d0, d1) -> (0, 0)>
#map1 = affine_map<(d0, d1) -> (0)>
module attributes {stable_mosaic.version = 14 : i64} {
  func.func @k(%arg0: i32, %arg1: i32, %arg2: memref<16384x2048xf32, #tpu.memory_space<hbm>>, %arg3: memref<16384xi32, #tpu.memory_space<hbm>>, %arg4: memref<16384x2048xf32, #tpu.memory_space<hbm>>, %arg5: memref<512xi32, #tpu.memory_space<vmem>>, %arg6: memref<16x2048xf32, #tpu.memory_space<vmem>>, %arg7: memref<16x2048xf32, #tpu.memory_space<vmem>>, %arg8: memref<16x2x8x2048xf32, #tpu.memory_space<vmem_shared>>, %arg9: memref<!tpu.dma_semaphore, #tpu.memory_space<semaphore_mem>>, %arg10: memref<!tpu.dma_semaphore, #tpu.memory_space<semaphore_mem>>, %arg11: memref<!tpu.dma_semaphore, #tpu.memory_space<semaphore_mem>>, %arg12: memref<!tpu.dma_semaphore, #tpu.memory_space<semaphore_mem>>, %arg13: memref<!tpu.dma_semaphore, #tpu.memory_space<semaphore_mem>>, %arg14: memref<!tpu.dma_semaphore, #tpu.memory_space<semaphore_mem>>, %arg15: memref<!tpu.dma_semaphore, #tpu.memory_space<semaphore_mem>>, %arg16: memref<!tpu.dma_semaphore, #tpu.memory_space<semaphore_mem>>) attributes {dimension_semantics = [#tpu.dimension_semantics<core_parallel>, #tpu.dimension_semantics<subcore_parallel>], iteration_bounds = array<i64: 2, 16>, scalar_prefetch = 0 : i64, scratch_operands = 12 : i64, tpu.core_type = #tpu.core_type<sc_vector_subcore>, window_params = [{transform_indices = #map}, {transform_indices = #map1}, {transform_indices = #map}]} {
    %mul3A = arith.constant 2 : i32
    %mul3A_0 = arith.muli %arg1, %mul3A : i32
    %add3A = arith.addi %mul3A_0, %arg0 : i32
    %mul3A_1 = arith.constant 512 : i32
    %mul3A_2 = arith.muli %add3A, %mul3A_1 : i32
    "tpu.region"() ({
      %run_scoped3A = tpu.sem_alloc : memref<!tpu.dma_semaphore, #tpu.memory_space<semaphore_mem>>
      %dma_start3A_202 = tpu.memref_slice %arg3[%mul3A_2] : memref<16384xi32, #tpu.memory_space<hbm>> -> memref<512xi32, #tpu.memory_space<hbm>>
      %dma_start3A_203 = tpu.memref_slice %arg3[%mul3A_2] : memref<16384xi32, #tpu.memory_space<hbm>> -> memref<512xi32, #tpu.memory_space<hbm>>
      tpu.enqueue_dma source(%dma_start3A_203 : memref<512xi32, #tpu.memory_space<hbm>>) target(%arg5 : memref<512xi32, #tpu.memory_space<vmem>>) target_semaphore(%run_scoped3A : memref<!tpu.dma_semaphore, #tpu.memory_space<semaphore_mem>>)
      %dma_wait3A_204 = tpu.memref_slice %arg3[%mul3A_2] : memref<16384xi32, #tpu.memory_space<hbm>> -> memref<512xi32, #tpu.memory_space<hbm>>
      %dma_wait3A_205 = tpu.memref_slice %arg3[%mul3A_2] : memref<16384xi32, #tpu.memory_space<hbm>> -> memref<512xi32, #tpu.memory_space<hbm>>
      tpu.wait_dma2 semaphore(%run_scoped3A : memref<!tpu.dma_semaphore, #tpu.memory_space<semaphore_mem>>) src(%dma_wait3A_205 : memref<512xi32, #tpu.memory_space<hbm>>) dst(%arg5 : memref<512xi32, #tpu.memory_space<vmem>>)
      tpu.yield
    }) : () -> ()
    %dma_start3A = arith.constant 0 : i32
    %dma_start3A_3 = tpu.memref_slice %arg5[%dma_start3A] : memref<512xi32, #tpu.memory_space<vmem>> -> memref<16xi32, #tpu.memory_space<vmem>>
    %dma_start3A_4 = arith.constant 0 : i32
    %dma_start3A_5 = arith.constant 0 : i32
    %dma_start3A_6 = tpu.memref_slice %arg2[%dma_start3A_4, %dma_start3A_5] : memref<16384x2048xf32, #tpu.memory_space<hbm>> -> memref<16384x2048xf32, #tpu.memory_space<hbm>>
    tpu.enqueue_indirect_dma source(%dma_start3A_6 : memref<16384x2048xf32, #tpu.memory_space<hbm>>) target(%arg6 : memref<16x2048xf32, #tpu.memory_space<vmem>>) offsets(%dma_start3A_3 : memref<16xi32, #tpu.memory_space<vmem>>) semaphore(%arg9 : memref<!tpu.dma_semaphore, #tpu.memory_space<semaphore_mem>>)
    %get3A = arith.constant 16 : index
    %get3A_7 = tpu.vector_load %arg5[%get3A] {strides = array<i32>} : memref<512xi32, #tpu.memory_space<vmem>>, vector<16xi32>,
    %get3A_8 = vector.shape_cast %get3A_7 : vector<16xi32> to vector<16xi32>
    %slice3A = vector.extract_strided_slice %get3A_8 {offsets = [0], sizes = [1], strides = [1]} : vector<16xi32> to vector<1xi32>
    %squeeze3A = vector.extract %slice3A[0] : i32 from vector<1xi32>
    %dma_start3A_9 = arith.constant 0 : i32
    %dma_start3A_10 = arith.constant 0 : i32
    %dma_start3A_11 = arith.constant 0 : i32
    %dma_start3A_12 = tpu.memref_slice %arg8[%arg1, %dma_start3A_9, %dma_start3A_10, %dma_start3A_11] : memref<16x2x8x2048xf32, #tpu.memory_space<vmem_shared>> -> memref<1x1x1x2048xf32, #tpu.memory_space<vmem_shared>>
    %dma_start3A_13 = tpu.memref_squeeze %dma_start3A_12 : memref<1x1x1x2048xf32, #tpu.memory_space<vmem_shared>> -> memref<1x2048xf32, #tpu.memory_space<vmem_shared>>
    %dma_start3A_14 = arith.constant 0 : i32
    %dma_start3A_15 = tpu.memref_slice %arg2[%squeeze3A, %dma_start3A_14] : memref<16384x2048xf32, #tpu.memory_space<hbm>> -> memref<1x2048xf32, #tpu.memory_space<hbm>>
    tpu.enqueue_dma source(%dma_start3A_15 : memref<1x2048xf32, #tpu.memory_space<hbm>>) target(%dma_start3A_13 : memref<1x2048xf32, #tpu.memory_space<vmem_shared>>) target_semaphore(%arg13 : memref<!tpu.dma_semaphore, #tpu.memory_space<semaphore_mem>>)
    %slice3A_16 = vector.extract_strided_slice %get3A_8 {offsets = [1], sizes = [1], strides = [1]} : vector<16xi32> to vector<1xi32>
    %squeeze3A_17 = vector.extract %slice3A_16[0] : i32 from vector<1xi32>
    %dma_start3A_18 = arith.constant 0 : i32
    %dma_start3A_19 = arith.constant 1 : i32
    %dma_start3A_20 = arith.constant 0 : i32
    %dma_start3A_21 = tpu.memref_slice %arg8[%arg1, %dma_start3A_18, %dma_start3A_19, %dma_start3A_20] : memref<16x2x8x2048xf32, #tpu.memory_space<vmem_shared>> -> memref<1x1x1x2048xf32, #tpu.memory_space<vmem_shared>>
    %dma_start3A_22 = tpu.memref_squeeze %dma_start3A_21 : memref<1x1x1x2048xf32, #tpu.memory_space<vmem_shared>> -> memref<1x2048xf32, #tpu.memory_space<vmem_shared>>
    %dma_start3A_23 = arith.constant 0 : i32
    %dma_start3A_24 = tpu.memref_slice %arg2[%squeeze3A_17, %dma_start3A_23] : memref<16384x2048xf32, #tpu.memory_space<hbm>> -> memref<1x2048xf32, #tpu.memory_space<hbm>>
    tpu.enqueue_dma source(%dma_start3A_24 : memref<1x2048xf32, #tpu.memory_space<hbm>>) target(%dma_start3A_22 : memref<1x2048xf32, #tpu.memory_space<vmem_shared>>) target_semaphore(%arg13 : memref<!tpu.dma_semaphore, #tpu.memory_space<semaphore_mem>>)
    %slice3A_25 = vector.extract_strided_slice %get3A_8 {offsets = [2], sizes = [1], strides = [1]} : vector<16xi32> to vector<1xi32>
    %squeeze3A_26 = vector.extract %slice3A_25[0] : i32 from vector<1xi32>
    %dma_start3A_27 = arith.constant 0 : i32
    %dma_start3A_28 = arith.constant 2 : i32
    %dma_start3A_29 = arith.constant 0 : i32
    %dma_start3A_30 = tpu.memref_slice %arg8[%arg1, %dma_start3A_27, %dma_start3A_28, %dma_start3A_29] : memref<16x2x8x2048xf32, #tpu.memory_space<vmem_shared>> -> memref<1x1x1x2048xf32, #tpu.memory_space<vmem_shared>>
    %dma_start3A_31 = tpu.memref_squeeze %dma_start3A_30 : memref<1x1x1x2048xf32, #tpu.memory_space<vmem_shared>> -> memref<1x2048xf32, #tpu.memory_space<vmem_shared>>
    %dma_start3A_32 = arith.constant 0 : i32
    %dma_start3A_33 = tpu.memref_slice %arg2[%squeeze3A_26, %dma_start3A_32] : memref<16384x2048xf32, #tpu.memory_space<hbm>> -> memref<1x2048xf32, #tpu.memory_space<hbm>>
    tpu.enqueue_dma source(%dma_start3A_33 : memref<1x2048xf32, #tpu.memory_space<hbm>>) target(%dma_start3A_31 : memref<1x2048xf32, #tpu.memory_space<vmem_shared>>) target_semaphore(%arg13 : memref<!tpu.dma_semaphore, #tpu.memory_space<semaphore_mem>>)
    %slice3A_34 = vector.extract_strided_slice %get3A_8 {offsets = [3], sizes = [1], strides = [1]} : vector<16xi32> to vector<1xi32>
    %squeeze3A_35 = vector.extract %slice3A_34[0] : i32 from vector<1xi32>
    %dma_start3A_36 = arith.constant 0 : i32
    %dma_start3A_37 = arith.constant 3 : i32
    %dma_start3A_38 = arith.constant 0 : i32
    %dma_start3A_39 = tpu.memref_slice %arg8[%arg1, %dma_start3A_36, %dma_start3A_37, %dma_start3A_38] : memref<16x2x8x2048xf32, #tpu.memory_space<vmem_shared>> -> memref<1x1x1x2048xf32, #tpu.memory_space<vmem_shared>>
    %dma_start3A_40 = tpu.memref_squeeze %dma_start3A_39 : memref<1x1x1x2048xf32, #tpu.memory_space<vmem_shared>> -> memref<1x2048xf32, #tpu.memory_space<vmem_shared>>
    %dma_start3A_41 = arith.constant 0 : i32
    %dma_start3A_42 = tpu.memref_slice %arg2[%squeeze3A_35, %dma_start3A_41] : memref<16384x2048xf32, #tpu.memory_space<hbm>> -> memref<1x2048xf32, #tpu.memory_space<hbm>>
    tpu.enqueue_dma source(%dma_start3A_42 : memref<1x2048xf32, #tpu.memory_space<hbm>>) target(%dma_start3A_40 : memref<1x2048xf32, #tpu.memory_space<vmem_shared>>) target_semaphore(%arg13 : memref<!tpu.dma_semaphore, #tpu.memory_space<semaphore_mem>>)
    %slice3A_43 = vector.extract_strided_slice %get3A_8 {offsets = [4], sizes = [1], strides = [1]} : vector<16xi32> to vector<1xi32>
    %squeeze3A_44 = vector.extract %slice3A_43[0] : i32 from vector<1xi32>
    %dma_start3A_45 = arith.constant 0 : i32
    %dma_start3A_46 = arith.constant 4 : i32
    %dma_start3A_47 = arith.constant 0 : i32
    %dma_start3A_48 = tpu.memref_slice %arg8[%arg1, %dma_start3A_45, %dma_start3A_46, %dma_start3A_47] : memref<16x2x8x2048xf32, #tpu.memory_space<vmem_shared>> -> memref<1x1x1x2048xf32, #tpu.memory_space<vmem_shared>>
    %dma_start3A_49 = tpu.memref_squeeze %dma_start3A_48 : memref<1x1x1x2048xf32, #tpu.memory_space<vmem_shared>> -> memref<1x2048xf32, #tpu.memory_space<vmem_shared>>
    %dma_start3A_50 = arith.constant 0 : i32
    %dma_start3A_51 = tpu.memref_slice %arg2[%squeeze3A_44, %dma_start3A_50] : memref<16384x2048xf32, #tpu.memory_space<hbm>> -> memref<1x2048xf32, #tpu.memory_space<hbm>>
    tpu.enqueue_dma source(%dma_start3A_51 : memref<1x2048xf32, #tpu.memory_space<hbm>>) target(%dma_start3A_49 : memref<1x2048xf32, #tpu.memory_space<vmem_shared>>) target_semaphore(%arg13 : memref<!tpu.dma_semaphore, #tpu.memory_space<semaphore_mem>>)
    %slice3A_52 = vector.extract_strided_slice %get3A_8 {offsets = [5], sizes = [1], strides = [1]} : vector<16xi32> to vector<1xi32>
    %squeeze3A_53 = vector.extract %slice3A_52[0] : i32 from vector<1xi32>
    %dma_start3A_54 = arith.constant 0 : i32
    %dma_start3A_55 = arith.constant 5 : i32
    %dma_start3A_56 = arith.constant 0 : i32
    %dma_start3A_57 = tpu.memref_slice %arg8[%arg1, %dma_start3A_54, %dma_start3A_55, %dma_start3A_56] : memref<16x2x8x2048xf32, #tpu.memory_space<vmem_shared>> -> memref<1x1x1x2048xf32, #tpu.memory_space<vmem_shared>>
    %dma_start3A_58 = tpu.memref_squeeze %dma_start3A_57 : memref<1x1x1x2048xf32, #tpu.memory_space<vmem_shared>> -> memref<1x2048xf32, #tpu.memory_space<vmem_shared>>
    %dma_start3A_59 = arith.constant 0 : i32
    %dma_start3A_60 = tpu.memref_slice %arg2[%squeeze3A_53, %dma_start3A_59] : memref<16384x2048xf32, #tpu.memory_space<hbm>> -> memref<1x2048xf32, #tpu.memory_space<hbm>>
    tpu.enqueue_dma source(%dma_start3A_60 : memref<1x2048xf32, #tpu.memory_space<hbm>>) target(%dma_start3A_58 : memref<1x2048xf32, #tpu.memory_space<vmem_shared>>) target_semaphore(%arg13 : memref<!tpu.dma_semaphore, #tpu.memory_space<semaphore_mem>>)
    %slice3A_61 = vector.extract_strided_slice %get3A_8 {offsets = [6], sizes = [1], strides = [1]} : vector<16xi32> to vector<1xi32>
    %squeeze3A_62 = vector.extract %slice3A_61[0] : i32 from vector<1xi32>
    %dma_start3A_63 = arith.constant 0 : i32
    %dma_start3A_64 = arith.constant 6 : i32
    %dma_start3A_65 = arith.constant 0 : i32
    %dma_start3A_66 = tpu.memref_slice %arg8[%arg1, %dma_start3A_63, %dma_start3A_64, %dma_start3A_65] : memref<16x2x8x2048xf32, #tpu.memory_space<vmem_shared>> -> memref<1x1x1x2048xf32, #tpu.memory_space<vmem_shared>>
    %dma_start3A_67 = tpu.memref_squeeze %dma_start3A_66 : memref<1x1x1x2048xf32, #tpu.memory_space<vmem_shared>> -> memref<1x2048xf32, #tpu.memory_space<vmem_shared>>
    %dma_start3A_68 = arith.constant 0 : i32
    %dma_start3A_69 = tpu.memref_slice %arg2[%squeeze3A_62, %dma_start3A_68] : memref<16384x2048xf32, #tpu.memory_space<hbm>> -> memref<1x2048xf32, #tpu.memory_space<hbm>>
    tpu.enqueue_dma source(%dma_start3A_69 : memref<1x2048xf32, #tpu.memory_space<hbm>>) target(%dma_start3A_67 : memref<1x2048xf32, #tpu.memory_space<vmem_shared>>) target_semaphore(%arg13 : memref<!tpu.dma_semaphore, #tpu.memory_space<semaphore_mem>>)
    %slice3A_70 = vector.extract_strided_slice %get3A_8 {offsets = [7], sizes = [1], strides = [1]} : vector<16xi32> to vector<1xi32>
    %squeeze3A_71 = vector.extract %slice3A_70[0] : i32 from vector<1xi32>
    %dma_start3A_72 = arith.constant 0 : i32
    %dma_start3A_73 = arith.constant 7 : i32
    %dma_start3A_74 = arith.constant 0 : i32
    %dma_start3A_75 = tpu.memref_slice %arg8[%arg1, %dma_start3A_72, %dma_start3A_73, %dma_start3A_74] : memref<16x2x8x2048xf32, #tpu.memory_space<vmem_shared>> -> memref<1x1x1x2048xf32, #tpu.memory_space<vmem_shared>>
    %dma_start3A_76 = tpu.memref_squeeze %dma_start3A_75 : memref<1x1x1x2048xf32, #tpu.memory_space<vmem_shared>> -> memref<1x2048xf32, #tpu.memory_space<vmem_shared>>
    %dma_start3A_77 = arith.constant 0 : i32
    %dma_start3A_78 = tpu.memref_slice %arg2[%squeeze3A_71, %dma_start3A_77] : memref<16384x2048xf32, #tpu.memory_space<hbm>> -> memref<1x2048xf32, #tpu.memory_space<hbm>>
    tpu.enqueue_dma source(%dma_start3A_78 : memref<1x2048xf32, #tpu.memory_space<hbm>>) target(%dma_start3A_76 : memref<1x2048xf32, #tpu.memory_space<vmem_shared>>) target_semaphore(%arg13 : memref<!tpu.dma_semaphore, #tpu.memory_space<semaphore_mem>>)
    %get3A_79 = arith.constant 16 : index
    %get3A_80 = tpu.vector_load %arg5[%get3A_79] {strides = array<i32>} : memref<512xi32, #tpu.memory_space<vmem>>, vector<16xi32>,
    %get3A_81 = vector.shape_cast %get3A_80 : vector<16xi32> to vector<16xi32>
    %slice3A_82 = vector.extract_strided_slice %get3A_81 {offsets = [8], sizes = [1], strides = [1]} : vector<16xi32> to vector<1xi32>
    %squeeze3A_83 = vector.extract %slice3A_82[0] : i32 from vector<1xi32>
    %dma_start3A_84 = arith.constant 1 : i32
    %dma_start3A_85 = arith.constant 0 : i32
    %dma_start3A_86 = arith.constant 0 : i32
    %dma_start3A_87 = tpu.memref_slice %arg8[%arg1, %dma_start3A_84, %dma_start3A_85, %dma_start3A_86] : memref<16x2x8x2048xf32, #tpu.memory_space<vmem_shared>> -> memref<1x1x1x2048xf32, #tpu.memory_space<vmem_shared>>
    %dma_start3A_88 = tpu.memref_squeeze %dma_start3A_87 : memref<1x1x1x2048xf32, #tpu.memory_space<vmem_shared>> -> memref<1x2048xf32, #tpu.memory_space<vmem_shared>>
    %dma_start3A_89 = arith.constant 0 : i32
    %dma_start3A_90 = tpu.memref_slice %arg2[%squeeze3A_83, %dma_start3A_89] : memref<16384x2048xf32, #tpu.memory_space<hbm>> -> memref<1x2048xf32, #tpu.memory_space<hbm>>
    tpu.enqueue_dma source(%dma_start3A_90 : memref<1x2048xf32, #tpu.memory_space<hbm>>) target(%dma_start3A_88 : memref<1x2048xf32, #tpu.memory_space<vmem_shared>>) target_semaphore(%arg14 : memref<!tpu.dma_semaphore, #tpu.memory_space<semaphore_mem>>)
    %slice3A_91 = vector.extract_strided_slice %get3A_81 {offsets = [9], sizes = [1], strides = [1]} : vector<16xi32> to vector<1xi32>
    %squeeze3A_92 = vector.extract %slice3A_91[0] : i32 from vector<1xi32>
    %dma_start3A_93 = arith.constant 1 : i32
    %dma_start3A_94 = arith.constant 1 : i32
    %dma_start3A_95 = arith.constant 0 : i32
    %dma_start3A_96 = tpu.memref_slice %arg8[%arg1, %dma_start3A_93, %dma_start3A_94, %dma_start3A_95] : memref<16x2x8x2048xf32, #tpu.memory_space<vmem_shared>> -> memref<1x1x1x2048xf32, #tpu.memory_space<vmem_shared>>
    %dma_start3A_97 = tpu.memref_squeeze %dma_start3A_96 : memref<1x1x1x2048xf32, #tpu.memory_space<vmem_shared>> -> memref<1x2048xf32, #tpu.memory_space<vmem_shared>>
    %dma_start3A_98 = arith.constant 0 : i32
    %dma_start3A_99 = tpu.memref_slice %arg2[%squeeze3A_92, %dma_start3A_98] : memref<16384x2048xf32, #tpu.memory_space<hbm>> -> memref<1x2048xf32, #tpu.memory_space<hbm>>
    tpu.enqueue_dma source(%dma_start3A_99 : memref<1x2048xf32, #tpu.memory_space<hbm>>) target(%dma_start3A_97 : memref<1x2048xf32, #tpu.memory_space<vmem_shared>>) target_semaphore(%arg14 : memref<!tpu.dma_semaphore, #tpu.memory_space<semaphore_mem>>)
    %slice3A_100 = vector.extract_strided_slice %get3A_81 {offsets = [10], sizes = [1], strides = [1]} : vector<16xi32> to vector<1xi32>
    %squeeze3A_101 = vector.extract %slice3A_100[0] : i32 from vector<1xi32>
    %dma_start3A_102 = arith.constant 1 : i32
    %dma_start3A_103 = arith.constant 2 : i32
    %dma_start3A_104 = arith.constant 0 : i32
    %dma_start3A_105 = tpu.memref_slice %arg8[%arg1, %dma_start3A_102, %dma_start3A_103, %dma_start3A_104] : memref<16x2x8x2048xf32, #tpu.memory_space<vmem_shared>> -> memref<1x1x1x2048xf32, #tpu.memory_space<vmem_shared>>
    %dma_start3A_106 = tpu.memref_squeeze %dma_start3A_105 : memref<1x1x1x2048xf32, #tpu.memory_space<vmem_shared>> -> memref<1x2048xf32, #tpu.memory_space<vmem_shared>>
    %dma_start3A_107 = arith.constant 0 : i32
    %dma_start3A_108 = tpu.memref_slice %arg2[%squeeze3A_101, %dma_start3A_107] : memref<16384x2048xf32, #tpu.memory_space<hbm>> -> memref<1x2048xf32, #tpu.memory_space<hbm>>
    tpu.enqueue_dma source(%dma_start3A_108 : memref<1x2048xf32, #tpu.memory_space<hbm>>) target(%dma_start3A_106 : memref<1x2048xf32, #tpu.memory_space<vmem_shared>>) target_semaphore(%arg14 : memref<!tpu.dma_semaphore, #tpu.memory_space<semaphore_mem>>)
    %slice3A_109 = vector.extract_strided_slice %get3A_81 {offsets = [11], sizes = [1], strides = [1]} : vector<16xi32> to vector<1xi32>
    %squeeze3A_110 = vector.extract %slice3A_109[0] : i32 from vector<1xi32>
    %dma_start3A_111 = arith.constant 1 : i32
    %dma_start3A_112 = arith.constant 3 : i32
    %dma_start3A_113 = arith.constant 0 : i32
    %dma_start3A_114 = tpu.memref_slice %arg8[%arg1, %dma_start3A_111, %dma_start3A_112, %dma_start3A_113] : memref<16x2x8x2048xf32, #tpu.memory_space<vmem_shared>> -> memref<1x1x1x2048xf32, #tpu.memory_space<vmem_shared>>
    %dma_start3A_115 = tpu.memref_squeeze %dma_start3A_114 : memref<1x1x1x2048xf32, #tpu.memory_space<vmem_shared>> -> memref<1x2048xf32, #tpu.memory_space<vmem_shared>>
    %dma_start3A_116 = arith.constant 0 : i32
    %dma_start3A_117 = tpu.memref_slice %arg2[%squeeze3A_110, %dma_start3A_116] : memref<16384x2048xf32, #tpu.memory_space<hbm>> -> memref<1x2048xf32, #tpu.memory_space<hbm>>
    tpu.enqueue_dma source(%dma_start3A_117 : memref<1x2048xf32, #tpu.memory_space<hbm>>) target(%dma_start3A_115 : memref<1x2048xf32, #tpu.memory_space<vmem_shared>>) target_semaphore(%arg14 : memref<!tpu.dma_semaphore, #tpu.memory_space<semaphore_mem>>)
    %slice3A_118 = vector.extract_strided_slice %get3A_81 {offsets = [12], sizes = [1], strides = [1]} : vector<16xi32> to vector<1xi32>
    %squeeze3A_119 = vector.extract %slice3A_118[0] : i32 from vector<1xi32>
    %dma_start3A_120 = arith.constant 1 : i32
    %dma_start3A_121 = arith.constant 4 : i32
    %dma_start3A_122 = arith.constant 0 : i32
    %dma_start3A_123 = tpu.memref_slice %arg8[%arg1, %dma_start3A_120, %dma_start3A_121, %dma_start3A_122] : memref<16x2x8x2048xf32, #tpu.memory_space<vmem_shared>> -> memref<1x1x1x2048xf32, #tpu.memory_space<vmem_shared>>
    %dma_start3A_124 = tpu.memref_squeeze %dma_start3A_123 : memref<1x1x1x2048xf32, #tpu.memory_space<vmem_shared>> -> memref<1x2048xf32, #tpu.memory_space<vmem_shared>>
    %dma_start3A_125 = arith.constant 0 : i32
    %dma_start3A_126 = tpu.memref_slice %arg2[%squeeze3A_119, %dma_start3A_125] : memref<16384x2048xf32, #tpu.memory_space<hbm>> -> memref<1x2048xf32, #tpu.memory_space<hbm>>
    tpu.enqueue_dma source(%dma_start3A_126 : memref<1x2048xf32, #tpu.memory_space<hbm>>) target(%dma_start3A_124 : memref<1x2048xf32, #tpu.memory_space<vmem_shared>>) target_semaphore(%arg14 : memref<!tpu.dma_semaphore, #tpu.memory_space<semaphore_mem>>)
    %slice3A_127 = vector.extract_strided_slice %get3A_81 {offsets = [13], sizes = [1], strides = [1]} : vector<16xi32> to vector<1xi32>
    %squeeze3A_128 = vector.extract %slice3A_127[0] : i32 from vector<1xi32>
    %dma_start3A_129 = arith.constant 1 : i32
    %dma_start3A_130 = arith.constant 5 : i32
    %dma_start3A_131 = arith.constant 0 : i32
    %dma_start3A_132 = tpu.memref_slice %arg8[%arg1, %dma_start3A_129, %dma_start3A_130, %dma_start3A_131] : memref<16x2x8x2048xf32, #tpu.memory_space<vmem_shared>> -> memref<1x1x1x2048xf32, #tpu.memory_space<vmem_shared>>
    %dma_start3A_133 = tpu.memref_squeeze %dma_start3A_132 : memref<1x1x1x2048xf32, #tpu.memory_space<vmem_shared>> -> memref<1x2048xf32, #tpu.memory_space<vmem_shared>>
    %dma_start3A_134 = arith.constant 0 : i32
    %dma_start3A_135 = tpu.memref_slice %arg2[%squeeze3A_128, %dma_start3A_134] : memref<16384x2048xf32, #tpu.memory_space<hbm>> -> memref<1x2048xf32, #tpu.memory_space<hbm>>
    tpu.enqueue_dma source(%dma_start3A_135 : memref<1x2048xf32, #tpu.memory_space<hbm>>) target(%dma_start3A_133 : memref<1x2048xf32, #tpu.memory_space<vmem_shared>>) target_semaphore(%arg14 : memref<!tpu.dma_semaphore, #tpu.memory_space<semaphore_mem>>)
    %slice3A_136 = vector.extract_strided_slice %get3A_81 {offsets = [14], sizes = [1], strides = [1]} : vector<16xi32> to vector<1xi32>
    %squeeze3A_137 = vector.extract %slice3A_136[0] : i32 from vector<1xi32>
    %dma_start3A_138 = arith.constant 1 : i32
    %dma_start3A_139 = arith.constant 6 : i32
    %dma_start3A_140 = arith.constant 0 : i32
    %dma_start3A_141 = tpu.memref_slice %arg8[%arg1, %dma_start3A_138, %dma_start3A_139, %dma_start3A_140] : memref<16x2x8x2048xf32, #tpu.memory_space<vmem_shared>> -> memref<1x1x1x2048xf32, #tpu.memory_space<vmem_shared>>
    %dma_start3A_142 = tpu.memref_squeeze %dma_start3A_141 : memref<1x1x1x2048xf32, #tpu.memory_space<vmem_shared>> -> memref<1x2048xf32, #tpu.memory_space<vmem_shared>>
    %dma_start3A_143 = arith.constant 0 : i32
    %dma_start3A_144 = tpu.memref_slice %arg2[%squeeze3A_137, %dma_start3A_143] : memref<16384x2048xf32, #tpu.memory_space<hbm>> -> memref<1x2048xf32, #tpu.memory_space<hbm>>
    tpu.enqueue_dma source(%dma_start3A_144 : memref<1x2048xf32, #tpu.memory_space<hbm>>) target(%dma_start3A_142 : memref<1x2048xf32, #tpu.memory_space<vmem_shared>>) target_semaphore(%arg14 : memref<!tpu.dma_semaphore, #tpu.memory_space<semaphore_mem>>)
    %slice3A_145 = vector.extract_strided_slice %get3A_81 {offsets = [15], sizes = [1], strides = [1]} : vector<16xi32> to vector<1xi32>
    %squeeze3A_146 = vector.extract %slice3A_145[0] : i32 from vector<1xi32>
    %dma_start3A_147 = arith.constant 1 : i32
    %dma_start3A_148 = arith.constant 7 : i32
    %dma_start3A_149 = arith.constant 0 : i32
    %dma_start3A_150 = tpu.memref_slice %arg8[%arg1, %dma_start3A_147, %dma_start3A_148, %dma_start3A_149] : memref<16x2x8x2048xf32, #tpu.memory_space<vmem_shared>> -> memref<1x1x1x2048xf32, #tpu.memory_space<vmem_shared>>
    %dma_start3A_151 = tpu.memref_squeeze %dma_start3A_150 : memref<1x1x1x2048xf32, #tpu.memory_space<vmem_shared>> -> memref<1x2048xf32, #tpu.memory_space<vmem_shared>>
    %dma_start3A_152 = arith.constant 0 : i32
    %dma_start3A_153 = tpu.memref_slice %arg2[%squeeze3A_146, %dma_start3A_152] : memref<16384x2048xf32, #tpu.memory_space<hbm>> -> memref<1x2048xf32, #tpu.memory_space<hbm>>
    tpu.enqueue_dma source(%dma_start3A_153 : memref<1x2048xf32, #tpu.memory_space<hbm>>) target(%dma_start3A_151 : memref<1x2048xf32, #tpu.memory_space<vmem_shared>>) target_semaphore(%arg14 : memref<!tpu.dma_semaphore, #tpu.memory_space<semaphore_mem>>)
    %dma_start3A_154 = arith.constant 32 : i32
    %dma_start3A_155 = tpu.memref_slice %arg5[%dma_start3A_154] : memref<512xi32, #tpu.memory_space<vmem>> -> memref<16xi32, #tpu.memory_space<vmem>>
    %dma_start3A_156 = arith.constant 0 : i32
    %dma_start3A_157 = arith.constant 0 : i32
    %dma_start3A_158 = tpu.memref_slice %arg2[%dma_start3A_156, %dma_start3A_157] : memref<16384x2048xf32, #tpu.memory_space<hbm>> -> memref<16384x2048xf32, #tpu.memory_space<hbm>>
    tpu.enqueue_indirect_dma source(%dma_start3A_158 : memref<16384x2048xf32, #tpu.memory_space<hbm>>) target(%arg7 : memref<16x2048xf32, #tpu.memory_space<vmem>>) offsets(%dma_start3A_155 : memref<16xi32, #tpu.memory_space<vmem>>) semaphore(%arg10 : memref<!tpu.dma_semaphore, #tpu.memory_space<semaphore_mem>>)
    %scan3A = arith.constant 0 : i32
    %scan3A_159 = arith.constant 0 : i32
    %scan3A_160 = arith.constant 8 : i32
    %scan3A_161 = arith.addi %scan3A_159, %scan3A_160 : i32
    %scan3A_162 = arith.constant 1 : i32
    %scan3A_163 = scf.for %scan3A_202 = %scan3A_159 to %scan3A_161 step %scan3A_162 iter_args(%scan3A_203 = %scan3A) -> (i32)  : i32 {
      %mul3A_204 = arith.constant 2 : i32
      %mul3A_205 = arith.muli %scan3A_202, %mul3A_204 : i32
      %add3A_206 = arith.constant 1 : i32
      %add3A_207 = arith.addi %mul3A_205, %add3A_206 : i32
      %mul3A_208 = arith.constant 32 : i32
      %mul3A_209 = arith.muli %mul3A_205, %mul3A_208 : i32
      %dma_wait3A_210 = tpu.memref_slice %arg5[%mul3A_209] : memref<512xi32, #tpu.memory_space<vmem>> -> memref<16xi32, #tpu.memory_space<vmem>>
      %dma_wait3A_211 = arith.constant 0 : i32
      %dma_wait3A_212 = arith.constant 0 : i32
      %dma_wait3A_213 = tpu.memref_slice %arg2[%dma_wait3A_211, %dma_wait3A_212] : memref<16384x2048xf32, #tpu.memory_space<hbm>> -> memref<16384x2048xf32, #tpu.memory_space<hbm>>
      tpu.wait_indirect_dma semaphore(%arg9 : memref<!tpu.dma_semaphore, #tpu.memory_space<semaphore_mem>>) src(%dma_wait3A_213 : memref<16384x2048xf32, #tpu.memory_space<hbm>>) dst(%arg6 : memref<16x2048xf32, #tpu.memory_space<vmem>>)
      %mul3A_214 = arith.constant 32 : i32
      %mul3A_215 = arith.muli %mul3A_205, %mul3A_214 : i32
      %add3A_216 = arith.addi %mul3A_2, %mul3A_215 : i32
      %dma_start3A_217 = arith.constant 0 : i32
      %dma_start3A_218 = tpu.memref_slice %arg4[%add3A_216, %dma_start3A_217] : memref<16384x2048xf32, #tpu.memory_space<hbm>> -> memref<16x2048xf32, #tpu.memory_space<hbm>>
      %dma_start3A_219 = arith.constant 0 : i32
      %dma_start3A_220 = tpu.memref_slice %arg4[%add3A_216, %dma_start3A_219] : memref<16384x2048xf32, #tpu.memory_space<hbm>> -> memref<16x2048xf32, #tpu.memory_space<hbm>>
      tpu.enqueue_dma source(%arg6 : memref<16x2048xf32, #tpu.memory_space<vmem>>) target(%dma_start3A_220 : memref<16x2048xf32, #tpu.memory_space<hbm>>) target_semaphore(%arg11 : memref<!tpu.dma_semaphore, #tpu.memory_space<semaphore_mem>>)
      %dma_wait3A_221 = arith.constant 0 : i32
      %dma_wait3A_222 = arith.constant 0 : i32
      %dma_wait3A_223 = arith.constant 0 : i32
      %dma_wait3A_224 = tpu.memref_slice %arg8[%arg1, %dma_wait3A_221, %dma_wait3A_222, %dma_wait3A_223] : memref<16x2x8x2048xf32, #tpu.memory_space<vmem_shared>> -> memref<1x1x8x2048xf32, #tpu.memory_space<vmem_shared>>
      %dma_wait3A_225 = tpu.memref_squeeze %dma_wait3A_224 : memref<1x1x8x2048xf32, #tpu.memory_space<vmem_shared>> -> memref<8x2048xf32, #tpu.memory_space<vmem_shared>>
      %dma_wait3A_226 = arith.constant 0 : i32
      %dma_wait3A_227 = arith.constant 0 : i32
      %dma_wait3A_228 = tpu.memref_slice %arg2[%dma_wait3A_226, %dma_wait3A_227] : memref<16384x2048xf32, #tpu.memory_space<hbm>> -> memref<8x2048xf32, #tpu.memory_space<hbm>>
      tpu.wait_dma2 semaphore(%arg13 : memref<!tpu.dma_semaphore, #tpu.memory_space<semaphore_mem>>) src(%dma_wait3A_228 : memref<8x2048xf32, #tpu.memory_space<hbm>>) dst(%dma_wait3A_225 : memref<8x2048xf32, #tpu.memory_space<vmem_shared>>)
      %mul3A_229 = arith.constant 32 : i32
      %mul3A_230 = arith.muli %mul3A_205, %mul3A_229 : i32
      %add3A_231 = arith.addi %mul3A_2, %mul3A_230 : i32
      %add3A_232 = arith.constant 16 : i32
      %add3A_233 = arith.addi %add3A_231, %add3A_232 : i32
      %add3A_234 = arith.constant 0 : i32
      %add3A_235 = arith.addi %add3A_233, %add3A_234 : i32
      %dma_start3A_236 = arith.constant 0 : i32
      %dma_start3A_237 = arith.constant 0 : i32
      %dma_start3A_238 = tpu.memref_slice %arg4[%add3A_235, %dma_start3A_237] : memref<16384x2048xf32, #tpu.memory_space<hbm>> -> memref<8x2048xf32, #tpu.memory_space<hbm>>
      %dma_start3A_239 = arith.constant 0 : i32
      %dma_start3A_240 = arith.constant 0 : i32
      %dma_start3A_241 = tpu.memref_slice %arg8[%arg1, %dma_start3A_236, %dma_start3A_239, %dma_start3A_240] : memref<16x2x8x2048xf32, #tpu.memory_space<vmem_shared>> -> memref<1x1x8x2048xf32, #tpu.memory_space<vmem_shared>>
      %dma_start3A_242 = tpu.memref_squeeze %dma_start3A_241 : memref<1x1x8x2048xf32, #tpu.memory_space<vmem_shared>> -> memref<8x2048xf32, #tpu.memory_space<vmem_shared>>
      tpu.enqueue_dma source(%dma_start3A_242 : memref<8x2048xf32, #tpu.memory_space<vmem_shared>>) target(%dma_start3A_238 : memref<8x2048xf32, #tpu.memory_space<hbm>>) target_semaphore(%arg15 : memref<!tpu.dma_semaphore, #tpu.memory_space<semaphore_mem>>)
      %dma_wait3A_243 = arith.constant 1 : i32
      %dma_wait3A_244 = arith.constant 0 : i32
      %dma_wait3A_245 = arith.constant 0 : i32
      %dma_wait3A_246 = tpu.memref_slice %arg8[%arg1, %dma_wait3A_243, %dma_wait3A_244, %dma_wait3A_245] : memref<16x2x8x2048xf32, #tpu.memory_space<vmem_shared>> -> memref<1x1x8x2048xf32, #tpu.memory_space<vmem_shared>>
      %dma_wait3A_247 = tpu.memref_squeeze %dma_wait3A_246 : memref<1x1x8x2048xf32, #tpu.memory_space<vmem_shared>> -> memref<8x2048xf32, #tpu.memory_space<vmem_shared>>
      %dma_wait3A_248 = arith.constant 0 : i32
      %dma_wait3A_249 = arith.constant 0 : i32
      %dma_wait3A_250 = tpu.memref_slice %arg2[%dma_wait3A_248, %dma_wait3A_249] : memref<16384x2048xf32, #tpu.memory_space<hbm>> -> memref<8x2048xf32, #tpu.memory_space<hbm>>
      tpu.wait_dma2 semaphore(%arg14 : memref<!tpu.dma_semaphore, #tpu.memory_space<semaphore_mem>>) src(%dma_wait3A_250 : memref<8x2048xf32, #tpu.memory_space<hbm>>) dst(%dma_wait3A_247 : memref<8x2048xf32, #tpu.memory_space<vmem_shared>>)
      %mul3A_251 = arith.constant 32 : i32
      %mul3A_252 = arith.muli %mul3A_205, %mul3A_251 : i32
      %add3A_253 = arith.addi %mul3A_2, %mul3A_252 : i32
      %add3A_254 = arith.constant 16 : i32
      %add3A_255 = arith.addi %add3A_253, %add3A_254 : i32
      %add3A_256 = arith.constant 8 : i32
      %add3A_257 = arith.addi %add3A_255, %add3A_256 : i32
      %dma_start3A_258 = arith.constant 1 : i32
      %dma_start3A_259 = arith.constant 0 : i32
      %dma_start3A_260 = tpu.memref_slice %arg4[%add3A_257, %dma_start3A_259] : memref<16384x2048xf32, #tpu.memory_space<hbm>> -> memref<8x2048xf32, #tpu.memory_space<hbm>>
      %dma_start3A_261 = arith.constant 0 : i32
      %dma_start3A_262 = arith.constant 0 : i32
      %dma_start3A_263 = tpu.memref_slice %arg8[%arg1, %dma_start3A_258, %dma_start3A_261, %dma_start3A_262] : memref<16x2x8x2048xf32, #tpu.memory_space<vmem_shared>> -> memref<1x1x8x2048xf32, #tpu.memory_space<vmem_shared>>
      %dma_start3A_264 = tpu.memref_squeeze %dma_start3A_263 : memref<1x1x8x2048xf32, #tpu.memory_space<vmem_shared>> -> memref<8x2048xf32, #tpu.memory_space<vmem_shared>>
      tpu.enqueue_dma source(%dma_start3A_264 : memref<8x2048xf32, #tpu.memory_space<vmem_shared>>) target(%dma_start3A_260 : memref<8x2048xf32, #tpu.memory_space<hbm>>) target_semaphore(%arg16 : memref<!tpu.dma_semaphore, #tpu.memory_space<semaphore_mem>>)
      %mul3A_265 = arith.constant 32 : i32
      %mul3A_266 = arith.muli %mul3A_205, %mul3A_265 : i32
      %add3A_267 = arith.addi %mul3A_2, %mul3A_266 : i32
      %add3A_268 = arith.constant 16 : i32
      %add3A_269 = arith.addi %add3A_267, %add3A_268 : i32
      %add3A_270 = arith.constant 0 : i32
      %add3A_271 = arith.addi %add3A_269, %add3A_270 : i32
      %dma_wait3A_272 = arith.constant 0 : i32
      %dma_wait3A_273 = arith.constant 0 : i32
      %dma_wait3A_274 = tpu.memref_slice %arg4[%add3A_271, %dma_wait3A_273] : memref<16384x2048xf32, #tpu.memory_space<hbm>> -> memref<8x2048xf32, #tpu.memory_space<hbm>>
      %dma_wait3A_275 = arith.constant 0 : i32
      %dma_wait3A_276 = arith.constant 0 : i32
      %dma_wait3A_277 = tpu.memref_slice %arg8[%arg1, %dma_wait3A_272, %dma_wait3A_275, %dma_wait3A_276] : memref<16x2x8x2048xf32, #tpu.memory_space<vmem_shared>> -> memref<1x1x8x2048xf32, #tpu.memory_space<vmem_shared>>
      %dma_wait3A_278 = tpu.memref_squeeze %dma_wait3A_277 : memref<1x1x8x2048xf32, #tpu.memory_space<vmem_shared>> -> memref<8x2048xf32, #tpu.memory_space<vmem_shared>>
      tpu.wait_dma2 semaphore(%arg15 : memref<!tpu.dma_semaphore, #tpu.memory_space<semaphore_mem>>) src(%dma_wait3A_278 : memref<8x2048xf32, #tpu.memory_space<vmem_shared>>) dst(%dma_wait3A_274 : memref<8x2048xf32, #tpu.memory_space<hbm>>)
      %mul3A_279 = arith.constant 32 : i32
      %mul3A_280 = arith.muli %add3A_207, %mul3A_279 : i32
      %add3A_281 = arith.constant 16 : i32
      %add3A_282 = arith.addi %mul3A_280, %add3A_281 : i32
      %get3A_283 = arith.index_cast %add3A_282 : i32 to index
      %get3A_284 = tpu.vector_load %arg5[%get3A_283] {strides = array<i32>} : memref<512xi32, #tpu.memory_space<vmem>>, vector<16xi32>,
      %get3A_285 = vector.shape_cast %get3A_284 : vector<16xi32> to vector<16xi32>
      %slice3A_286 = vector.extract_strided_slice %get3A_285 {offsets = [0], sizes = [1], strides = [1]} : vector<16xi32> to vector<1xi32>
      %squeeze3A_287 = vector.extract %slice3A_286[0] : i32 from vector<1xi32>
      %dma_start3A_288 = arith.constant 0 : i32
      %dma_start3A_289 = arith.constant 0 : i32
      %dma_start3A_290 = arith.constant 0 : i32
      %dma_start3A_291 = tpu.memref_slice %arg8[%arg1, %dma_start3A_288, %dma_start3A_289, %dma_start3A_290] : memref<16x2x8x2048xf32, #tpu.memory_space<vmem_shared>> -> memref<1x1x1x2048xf32, #tpu.memory_space<vmem_shared>>
      %dma_start3A_292 = tpu.memref_squeeze %dma_start3A_291 : memref<1x1x1x2048xf32, #tpu.memory_space<vmem_shared>> -> memref<1x2048xf32, #tpu.memory_space<vmem_shared>>
      %dma_start3A_293 = arith.constant 0 : i32
      %dma_start3A_294 = tpu.memref_slice %arg2[%squeeze3A_287, %dma_start3A_293] : memref<16384x2048xf32, #tpu.memory_space<hbm>> -> memref<1x2048xf32, #tpu.memory_space<hbm>>
      tpu.enqueue_dma source(%dma_start3A_294 : memref<1x2048xf32, #tpu.memory_space<hbm>>) target(%dma_start3A_292 : memref<1x2048xf32, #tpu.memory_space<vmem_shared>>) target_semaphore(%arg13 : memref<!tpu.dma_semaphore, #tpu.memory_space<semaphore_mem>>)
      %slice3A_295 = vector.extract_strided_slice %get3A_285 {offsets = [1], sizes = [1], strides = [1]} : vector<16xi32> to vector<1xi32>
      %squeeze3A_296 = vector.extract %slice3A_295[0] : i32 from vector<1xi32>
      %dma_start3A_297 = arith.constant 0 : i32
      %dma_start3A_298 = arith.constant 1 : i32
      %dma_start3A_299 = arith.constant 0 : i32
      %dma_start3A_300 = tpu.memref_slice %arg8[%arg1, %dma_start3A_297, %dma_start3A_298, %dma_start3A_299] : memref<16x2x8x2048xf32, #tpu.memory_space<vmem_shared>> -> memref<1x1x1x2048xf32, #tpu.memory_space<vmem_shared>>
      %dma_start3A_301 = tpu.memref_squeeze %dma_start3A_300 : memref<1x1x1x2048xf32, #tpu.memory_space<vmem_shared>> -> memref<1x2048xf32, #tpu.memory_space<vmem_shared>>
      %dma_start3A_302 = arith.constant 0 : i32
      %dma_start3A_303 = tpu.memref_slice %arg2[%squeeze3A_296, %dma_start3A_302] : memref<16384x2048xf32, #tpu.memory_space<hbm>> -> memref<1x2048xf32, #tpu.memory_space<hbm>>
      tpu.enqueue_dma source(%dma_start3A_303 : memref<1x2048xf32, #tpu.memory_space<hbm>>) target(%dma_start3A_301 : memref<1x2048xf32, #tpu.memory_space<vmem_shared>>) target_semaphore(%arg13 : memref<!tpu.dma_semaphore, #tpu.memory_space<semaphore_mem>>)
      %slice3A_304 = vector.extract_strided_slice %get3A_285 {offsets = [2], sizes = [1], strides = [1]} : vector<16xi32> to vector<1xi32>
      %squeeze3A_305 = vector.extract %slice3A_304[0] : i32 from vector<1xi32>
      %dma_start3A_306 = arith.constant 0 : i32
      %dma_start3A_307 = arith.constant 2 : i32
      %dma_start3A_308 = arith.constant 0 : i32
      %dma_start3A_309 = tpu.memref_slice %arg8[%arg1, %dma_start3A_306, %dma_start3A_307, %dma_start3A_308] : memref<16x2x8x2048xf32, #tpu.memory_space<vmem_shared>> -> memref<1x1x1x2048xf32, #tpu.memory_space<vmem_shared>>
      %dma_start3A_310 = tpu.memref_squeeze %dma_start3A_309 : memref<1x1x1x2048xf32, #tpu.memory_space<vmem_shared>> -> memref<1x2048xf32, #tpu.memory_space<vmem_shared>>
      %dma_start3A_311 = arith.constant 0 : i32
      %dma_start3A_312 = tpu.memref_slice %arg2[%squeeze3A_305, %dma_start3A_311] : memref<16384x2048xf32, #tpu.memory_space<hbm>> -> memref<1x2048xf32, #tpu.memory_space<hbm>>
      tpu.enqueue_dma source(%dma_start3A_312 : memref<1x2048xf32, #tpu.memory_space<hbm>>) target(%dma_start3A_310 : memref<1x2048xf32, #tpu.memory_space<vmem_shared>>) target_semaphore(%arg13 : memref<!tpu.dma_semaphore, #tpu.memory_space<semaphore_mem>>)
      %slice3A_313 = vector.extract_strided_slice %get3A_285 {offsets = [3], sizes = [1], strides = [1]} : vector<16xi32> to vector<1xi32>
      %squeeze3A_314 = vector.extract %slice3A_313[0] : i32 from vector<1xi32>
      %dma_start3A_315 = arith.constant 0 : i32
      %dma_start3A_316 = arith.constant 3 : i32
      %dma_start3A_317 = arith.constant 0 : i32
      %dma_start3A_318 = tpu.memref_slice %arg8[%arg1, %dma_start3A_315, %dma_start3A_316, %dma_start3A_317] : memref<16x2x8x2048xf32, #tpu.memory_space<vmem_shared>> -> memref<1x1x1x2048xf32, #tpu.memory_space<vmem_shared>>
      %dma_start3A_319 = tpu.memref_squeeze %dma_start3A_318 : memref<1x1x1x2048xf32, #tpu.memory_space<vmem_shared>> -> memref<1x2048xf32, #tpu.memory_space<vmem_shared>>
      %dma_start3A_320 = arith.constant 0 : i32
      %dma_start3A_321 = tpu.memref_slice %arg2[%squeeze3A_314, %dma_start3A_320] : memref<16384x2048xf32, #tpu.memory_space<hbm>> -> memref<1x2048xf32, #tpu.memory_space<hbm>>
      tpu.enqueue_dma source(%dma_start3A_321 : memref<1x2048xf32, #tpu.memory_space<hbm>>) target(%dma_start3A_319 : memref<1x2048xf32, #tpu.memory_space<vmem_shared>>) target_semaphore(%arg13 : memref<!tpu.dma_semaphore, #tpu.memory_space<semaphore_mem>>)
      %slice3A_322 = vector.extract_strided_slice %get3A_285 {offsets = [4], sizes = [1], strides = [1]} : vector<16xi32> to vector<1xi32>
      %squeeze3A_323 = vector.extract %slice3A_322[0] : i32 from vector<1xi32>
      %dma_start3A_324 = arith.constant 0 : i32
      %dma_start3A_325 = arith.constant 4 : i32
      %dma_start3A_326 = arith.constant 0 : i32
      %dma_start3A_327 = tpu.memref_slice %arg8[%arg1, %dma_start3A_324, %dma_start3A_325, %dma_start3A_326] : memref<16x2x8x2048xf32, #tpu.memory_space<vmem_shared>> -> memref<1x1x1x2048xf32, #tpu.memory_space<vmem_shared>>
      %dma_start3A_328 = tpu.memref_squeeze %dma_start3A_327 : memref<1x1x1x2048xf32, #tpu.memory_space<vmem_shared>> -> memref<1x2048xf32, #tpu.memory_space<vmem_shared>>
      %dma_start3A_329 = arith.constant 0 : i32
      %dma_start3A_330 = tpu.memref_slice %arg2[%squeeze3A_323, %dma_start3A_329] : memref<16384x2048xf32, #tpu.memory_space<hbm>> -> memref<1x2048xf32, #tpu.memory_space<hbm>>
      tpu.enqueue_dma source(%dma_start3A_330 : memref<1x2048xf32, #tpu.memory_space<hbm>>) target(%dma_start3A_328 : memref<1x2048xf32, #tpu.memory_space<vmem_shared>>) target_semaphore(%arg13 : memref<!tpu.dma_semaphore, #tpu.memory_space<semaphore_mem>>)
      %slice3A_331 = vector.extract_strided_slice %get3A_285 {offsets = [5], sizes = [1], strides = [1]} : vector<16xi32> to vector<1xi32>
      %squeeze3A_332 = vector.extract %slice3A_331[0] : i32 from vector<1xi32>
      %dma_start3A_333 = arith.constant 0 : i32
      %dma_start3A_334 = arith.constant 5 : i32
      %dma_start3A_335 = arith.constant 0 : i32
      %dma_start3A_336 = tpu.memref_slice %arg8[%arg1, %dma_start3A_333, %dma_start3A_334, %dma_start3A_335] : memref<16x2x8x2048xf32, #tpu.memory_space<vmem_shared>> -> memref<1x1x1x2048xf32, #tpu.memory_space<vmem_shared>>
      %dma_start3A_337 = tpu.memref_squeeze %dma_start3A_336 : memref<1x1x1x2048xf32, #tpu.memory_space<vmem_shared>> -> memref<1x2048xf32, #tpu.memory_space<vmem_shared>>
      %dma_start3A_338 = arith.constant 0 : i32
      %dma_start3A_339 = tpu.memref_slice %arg2[%squeeze3A_332, %dma_start3A_338] : memref<16384x2048xf32, #tpu.memory_space<hbm>> -> memref<1x2048xf32, #tpu.memory_space<hbm>>
      tpu.enqueue_dma source(%dma_start3A_339 : memref<1x2048xf32, #tpu.memory_space<hbm>>) target(%dma_start3A_337 : memref<1x2048xf32, #tpu.memory_space<vmem_shared>>) target_semaphore(%arg13 : memref<!tpu.dma_semaphore, #tpu.memory_space<semaphore_mem>>)
      %slice3A_340 = vector.extract_strided_slice %get3A_285 {offsets = [6], sizes = [1], strides = [1]} : vector<16xi32> to vector<1xi32>
      %squeeze3A_341 = vector.extract %slice3A_340[0] : i32 from vector<1xi32>
      %dma_start3A_342 = arith.constant 0 : i32
      %dma_start3A_343 = arith.constant 6 : i32
      %dma_start3A_344 = arith.constant 0 : i32
      %dma_start3A_345 = tpu.memref_slice %arg8[%arg1, %dma_start3A_342, %dma_start3A_343, %dma_start3A_344] : memref<16x2x8x2048xf32, #tpu.memory_space<vmem_shared>> -> memref<1x1x1x2048xf32, #tpu.memory_space<vmem_shared>>
      %dma_start3A_346 = tpu.memref_squeeze %dma_start3A_345 : memref<1x1x1x2048xf32, #tpu.memory_space<vmem_shared>> -> memref<1x2048xf32, #tpu.memory_space<vmem_shared>>
      %dma_start3A_347 = arith.constant 0 : i32
      %dma_start3A_348 = tpu.memref_slice %arg2[%squeeze3A_341, %dma_start3A_347] : memref<16384x2048xf32, #tpu.memory_space<hbm>> -> memref<1x2048xf32, #tpu.memory_space<hbm>>
      tpu.enqueue_dma source(%dma_start3A_348 : memref<1x2048xf32, #tpu.memory_space<hbm>>) target(%dma_start3A_346 : memref<1x2048xf32, #tpu.memory_space<vmem_shared>>) target_semaphore(%arg13 : memref<!tpu.dma_semaphore, #tpu.memory_space<semaphore_mem>>)
      %slice3A_349 = vector.extract_strided_slice %get3A_285 {offsets = [7], sizes = [1], strides = [1]} : vector<16xi32> to vector<1xi32>
      %squeeze3A_350 = vector.extract %slice3A_349[0] : i32 from vector<1xi32>
      %dma_start3A_351 = arith.constant 0 : i32
      %dma_start3A_352 = arith.constant 7 : i32
      %dma_start3A_353 = arith.constant 0 : i32
      %dma_start3A_354 = tpu.memref_slice %arg8[%arg1, %dma_start3A_351, %dma_start3A_352, %dma_start3A_353] : memref<16x2x8x2048xf32, #tpu.memory_space<vmem_shared>> -> memref<1x1x1x2048xf32, #tpu.memory_space<vmem_shared>>
      %dma_start3A_355 = tpu.memref_squeeze %dma_start3A_354 : memref<1x1x1x2048xf32, #tpu.memory_space<vmem_shared>> -> memref<1x2048xf32, #tpu.memory_space<vmem_shared>>
      %dma_start3A_356 = arith.constant 0 : i32
      %dma_start3A_357 = tpu.memref_slice %arg2[%squeeze3A_350, %dma_start3A_356] : memref<16384x2048xf32, #tpu.memory_space<hbm>> -> memref<1x2048xf32, #tpu.memory_space<hbm>>
      tpu.enqueue_dma source(%dma_start3A_357 : memref<1x2048xf32, #tpu.memory_space<hbm>>) target(%dma_start3A_355 : memref<1x2048xf32, #tpu.memory_space<vmem_shared>>) target_semaphore(%arg13 : memref<!tpu.dma_semaphore, #tpu.memory_space<semaphore_mem>>)
      %mul3A_358 = arith.constant 32 : i32
      %mul3A_359 = arith.muli %mul3A_205, %mul3A_358 : i32
      %add3A_360 = arith.addi %mul3A_2, %mul3A_359 : i32
      %add3A_361 = arith.constant 16 : i32
      %add3A_362 = arith.addi %add3A_360, %add3A_361 : i32
      %add3A_363 = arith.constant 8 : i32
      %add3A_364 = arith.addi %add3A_362, %add3A_363 : i32
      %dma_wait3A_365 = arith.constant 1 : i32
      %dma_wait3A_366 = arith.constant 0 : i32
      %dma_wait3A_367 = tpu.memref_slice %arg4[%add3A_364, %dma_wait3A_366] : memref<16384x2048xf32, #tpu.memory_space<hbm>> -> memref<8x2048xf32, #tpu.memory_space<hbm>>
      %dma_wait3A_368 = arith.constant 0 : i32
      %dma_wait3A_369 = arith.constant 0 : i32
      %dma_wait3A_370 = tpu.memref_slice %arg8[%arg1, %dma_wait3A_365, %dma_wait3A_368, %dma_wait3A_369] : memref<16x2x8x2048xf32, #tpu.memory_space<vmem_shared>> -> memref<1x1x8x2048xf32, #tpu.memory_space<vmem_shared>>
      %dma_wait3A_371 = tpu.memref_squeeze %dma_wait3A_370 : memref<1x1x8x2048xf32, #tpu.memory_space<vmem_shared>> -> memref<8x2048xf32, #tpu.memory_space<vmem_shared>>
      tpu.wait_dma2 semaphore(%arg16 : memref<!tpu.dma_semaphore, #tpu.memory_space<semaphore_mem>>) src(%dma_wait3A_371 : memref<8x2048xf32, #tpu.memory_space<vmem_shared>>) dst(%dma_wait3A_367 : memref<8x2048xf32, #tpu.memory_space<hbm>>)
      %mul3A_372 = arith.constant 32 : i32
      %mul3A_373 = arith.muli %add3A_207, %mul3A_372 : i32
      %add3A_374 = arith.constant 16 : i32
      %add3A_375 = arith.addi %mul3A_373, %add3A_374 : i32
      %get3A_376 = arith.index_cast %add3A_375 : i32 to index
      %get3A_377 = tpu.vector_load %arg5[%get3A_376] {strides = array<i32>} : memref<512xi32, #tpu.memory_space<vmem>>, vector<16xi32>,
      %get3A_378 = vector.shape_cast %get3A_377 : vector<16xi32> to vector<16xi32>
      %slice3A_379 = vector.extract_strided_slice %get3A_378 {offsets = [8], sizes = [1], strides = [1]} : vector<16xi32> to vector<1xi32>
      %squeeze3A_380 = vector.extract %slice3A_379[0] : i32 from vector<1xi32>
      %dma_start3A_381 = arith.constant 1 : i32
      %dma_start3A_382 = arith.constant 0 : i32
      %dma_start3A_383 = arith.constant 0 : i32
      %dma_start3A_384 = tpu.memref_slice %arg8[%arg1, %dma_start3A_381, %dma_start3A_382, %dma_start3A_383] : memref<16x2x8x2048xf32, #tpu.memory_space<vmem_shared>> -> memref<1x1x1x2048xf32, #tpu.memory_space<vmem_shared>>
      %dma_start3A_385 = tpu.memref_squeeze %dma_start3A_384 : memref<1x1x1x2048xf32, #tpu.memory_space<vmem_shared>> -> memref<1x2048xf32, #tpu.memory_space<vmem_shared>>
      %dma_start3A_386 = arith.constant 0 : i32
      %dma_start3A_387 = tpu.memref_slice %arg2[%squeeze3A_380, %dma_start3A_386] : memref<16384x2048xf32, #tpu.memory_space<hbm>> -> memref<1x2048xf32, #tpu.memory_space<hbm>>
      tpu.enqueue_dma source(%dma_start3A_387 : memref<1x2048xf32, #tpu.memory_space<hbm>>) target(%dma_start3A_385 : memref<1x2048xf32, #tpu.memory_space<vmem_shared>>) target_semaphore(%arg14 : memref<!tpu.dma_semaphore, #tpu.memory_space<semaphore_mem>>)
      %slice3A_388 = vector.extract_strided_slice %get3A_378 {offsets = [9], sizes = [1], strides = [1]} : vector<16xi32> to vector<1xi32>
      %squeeze3A_389 = vector.extract %slice3A_388[0] : i32 from vector<1xi32>
      %dma_start3A_390 = arith.constant 1 : i32
      %dma_start3A_391 = arith.constant 1 : i32
      %dma_start3A_392 = arith.constant 0 : i32
      %dma_start3A_393 = tpu.memref_slice %arg8[%arg1, %dma_start3A_390, %dma_start3A_391, %dma_start3A_392] : memref<16x2x8x2048xf32, #tpu.memory_space<vmem_shared>> -> memref<1x1x1x2048xf32, #tpu.memory_space<vmem_shared>>
      %dma_start3A_394 = tpu.memref_squeeze %dma_start3A_393 : memref<1x1x1x2048xf32, #tpu.memory_space<vmem_shared>> -> memref<1x2048xf32, #tpu.memory_space<vmem_shared>>
      %dma_start3A_395 = arith.constant 0 : i32
      %dma_start3A_396 = tpu.memref_slice %arg2[%squeeze3A_389, %dma_start3A_395] : memref<16384x2048xf32, #tpu.memory_space<hbm>> -> memref<1x2048xf32, #tpu.memory_space<hbm>>
      tpu.enqueue_dma source(%dma_start3A_396 : memref<1x2048xf32, #tpu.memory_space<hbm>>) target(%dma_start3A_394 : memref<1x2048xf32, #tpu.memory_space<vmem_shared>>) target_semaphore(%arg14 : memref<!tpu.dma_semaphore, #tpu.memory_space<semaphore_mem>>)
      %slice3A_397 = vector.extract_strided_slice %get3A_378 {offsets = [10], sizes = [1], strides = [1]} : vector<16xi32> to vector<1xi32>
      %squeeze3A_398 = vector.extract %slice3A_397[0] : i32 from vector<1xi32>
      %dma_start3A_399 = arith.constant 1 : i32
      %dma_start3A_400 = arith.constant 2 : i32
      %dma_start3A_401 = arith.constant 0 : i32
      %dma_start3A_402 = tpu.memref_slice %arg8[%arg1, %dma_start3A_399, %dma_start3A_400, %dma_start3A_401] : memref<16x2x8x2048xf32, #tpu.memory_space<vmem_shared>> -> memref<1x1x1x2048xf32, #tpu.memory_space<vmem_shared>>
      %dma_start3A_403 = tpu.memref_squeeze %dma_start3A_402 : memref<1x1x1x2048xf32, #tpu.memory_space<vmem_shared>> -> memref<1x2048xf32, #tpu.memory_space<vmem_shared>>
      %dma_start3A_404 = arith.constant 0 : i32
      %dma_start3A_405 = tpu.memref_slice %arg2[%squeeze3A_398, %dma_start3A_404] : memref<16384x2048xf32, #tpu.memory_space<hbm>> -> memref<1x2048xf32, #tpu.memory_space<hbm>>
      tpu.enqueue_dma source(%dma_start3A_405 : memref<1x2048xf32, #tpu.memory_space<hbm>>) target(%dma_start3A_403 : memref<1x2048xf32, #tpu.memory_space<vmem_shared>>) target_semaphore(%arg14 : memref<!tpu.dma_semaphore, #tpu.memory_space<semaphore_mem>>)
      %slice3A_406 = vector.extract_strided_slice %get3A_378 {offsets = [11], sizes = [1], strides = [1]} : vector<16xi32> to vector<1xi32>
      %squeeze3A_407 = vector.extract %slice3A_406[0] : i32 from vector<1xi32>
      %dma_start3A_408 = arith.constant 1 : i32
      %dma_start3A_409 = arith.constant 3 : i32
      %dma_start3A_410 = arith.constant 0 : i32
      %dma_start3A_411 = tpu.memref_slice %arg8[%arg1, %dma_start3A_408, %dma_start3A_409, %dma_start3A_410] : memref<16x2x8x2048xf32, #tpu.memory_space<vmem_shared>> -> memref<1x1x1x2048xf32, #tpu.memory_space<vmem_shared>>
      %dma_start3A_412 = tpu.memref_squeeze %dma_start3A_411 : memref<1x1x1x2048xf32, #tpu.memory_space<vmem_shared>> -> memref<1x2048xf32, #tpu.memory_space<vmem_shared>>
      %dma_start3A_413 = arith.constant 0 : i32
      %dma_start3A_414 = tpu.memref_slice %arg2[%squeeze3A_407, %dma_start3A_413] : memref<16384x2048xf32, #tpu.memory_space<hbm>> -> memref<1x2048xf32, #tpu.memory_space<hbm>>
      tpu.enqueue_dma source(%dma_start3A_414 : memref<1x2048xf32, #tpu.memory_space<hbm>>) target(%dma_start3A_412 : memref<1x2048xf32, #tpu.memory_space<vmem_shared>>) target_semaphore(%arg14 : memref<!tpu.dma_semaphore, #tpu.memory_space<semaphore_mem>>)
      %slice3A_415 = vector.extract_strided_slice %get3A_378 {offsets = [12], sizes = [1], strides = [1]} : vector<16xi32> to vector<1xi32>
      %squeeze3A_416 = vector.extract %slice3A_415[0] : i32 from vector<1xi32>
      %dma_start3A_417 = arith.constant 1 : i32
      %dma_start3A_418 = arith.constant 4 : i32
      %dma_start3A_419 = arith.constant 0 : i32
      %dma_start3A_420 = tpu.memref_slice %arg8[%arg1, %dma_start3A_417, %dma_start3A_418, %dma_start3A_419] : memref<16x2x8x2048xf32, #tpu.memory_space<vmem_shared>> -> memref<1x1x1x2048xf32, #tpu.memory_space<vmem_shared>>
      %dma_start3A_421 = tpu.memref_squeeze %dma_start3A_420 : memref<1x1x1x2048xf32, #tpu.memory_space<vmem_shared>> -> memref<1x2048xf32, #tpu.memory_space<vmem_shared>>
      %dma_start3A_422 = arith.constant 0 : i32
      %dma_start3A_423 = tpu.memref_slice %arg2[%squeeze3A_416, %dma_start3A_422] : memref<16384x2048xf32, #tpu.memory_space<hbm>> -> memref<1x2048xf32, #tpu.memory_space<hbm>>
      tpu.enqueue_dma source(%dma_start3A_423 : memref<1x2048xf32, #tpu.memory_space<hbm>>) target(%dma_start3A_421 : memref<1x2048xf32, #tpu.memory_space<vmem_shared>>) target_semaphore(%arg14 : memref<!tpu.dma_semaphore, #tpu.memory_space<semaphore_mem>>)
      %slice3A_424 = vector.extract_strided_slice %get3A_378 {offsets = [13], sizes = [1], strides = [1]} : vector<16xi32> to vector<1xi32>
      %squeeze3A_425 = vector.extract %slice3A_424[0] : i32 from vector<1xi32>
      %dma_start3A_426 = arith.constant 1 : i32
      %dma_start3A_427 = arith.constant 5 : i32
      %dma_start3A_428 = arith.constant 0 : i32
      %dma_start3A_429 = tpu.memref_slice %arg8[%arg1, %dma_start3A_426, %dma_start3A_427, %dma_start3A_428] : memref<16x2x8x2048xf32, #tpu.memory_space<vmem_shared>> -> memref<1x1x1x2048xf32, #tpu.memory_space<vmem_shared>>
      %dma_start3A_430 = tpu.memref_squeeze %dma_start3A_429 : memref<1x1x1x2048xf32, #tpu.memory_space<vmem_shared>> -> memref<1x2048xf32, #tpu.memory_space<vmem_shared>>
      %dma_start3A_431 = arith.constant 0 : i32
      %dma_start3A_432 = tpu.memref_slice %arg2[%squeeze3A_425, %dma_start3A_431] : memref<16384x2048xf32, #tpu.memory_space<hbm>> -> memref<1x2048xf32, #tpu.memory_space<hbm>>
      tpu.enqueue_dma source(%dma_start3A_432 : memref<1x2048xf32, #tpu.memory_space<hbm>>) target(%dma_start3A_430 : memref<1x2048xf32, #tpu.memory_space<vmem_shared>>) target_semaphore(%arg14 : memref<!tpu.dma_semaphore, #tpu.memory_space<semaphore_mem>>)
      %slice3A_433 = vector.extract_strided_slice %get3A_378 {offsets = [14], sizes = [1], strides = [1]} : vector<16xi32> to vector<1xi32>
      %squeeze3A_434 = vector.extract %slice3A_433[0] : i32 from vector<1xi32>
      %dma_start3A_435 = arith.constant 1 : i32
      %dma_start3A_436 = arith.constant 6 : i32
      %dma_start3A_437 = arith.constant 0 : i32
      %dma_start3A_438 = tpu.memref_slice %arg8[%arg1, %dma_start3A_435, %dma_start3A_436, %dma_start3A_437] : memref<16x2x8x2048xf32, #tpu.memory_space<vmem_shared>> -> memref<1x1x1x2048xf32, #tpu.memory_space<vmem_shared>>
      %dma_start3A_439 = tpu.memref_squeeze %dma_start3A_438 : memref<1x1x1x2048xf32, #tpu.memory_space<vmem_shared>> -> memref<1x2048xf32, #tpu.memory_space<vmem_shared>>
      %dma_start3A_440 = arith.constant 0 : i32
      %dma_start3A_441 = tpu.memref_slice %arg2[%squeeze3A_434, %dma_start3A_440] : memref<16384x2048xf32, #tpu.memory_space<hbm>> -> memref<1x2048xf32, #tpu.memory_space<hbm>>
      tpu.enqueue_dma source(%dma_start3A_441 : memref<1x2048xf32, #tpu.memory_space<hbm>>) target(%dma_start3A_439 : memref<1x2048xf32, #tpu.memory_space<vmem_shared>>) target_semaphore(%arg14 : memref<!tpu.dma_semaphore, #tpu.memory_space<semaphore_mem>>)
      %slice3A_442 = vector.extract_strided_slice %get3A_378 {offsets = [15], sizes = [1], strides = [1]} : vector<16xi32> to vector<1xi32>
      %squeeze3A_443 = vector.extract %slice3A_442[0] : i32 from vector<1xi32>
      %dma_start3A_444 = arith.constant 1 : i32
      %dma_start3A_445 = arith.constant 7 : i32
      %dma_start3A_446 = arith.constant 0 : i32
      %dma_start3A_447 = tpu.memref_slice %arg8[%arg1, %dma_start3A_444, %dma_start3A_445, %dma_start3A_446] : memref<16x2x8x2048xf32, #tpu.memory_space<vmem_shared>> -> memref<1x1x1x2048xf32, #tpu.memory_space<vmem_shared>>
      %dma_start3A_448 = tpu.memref_squeeze %dma_start3A_447 : memref<1x1x1x2048xf32, #tpu.memory_space<vmem_shared>> -> memref<1x2048xf32, #tpu.memory_space<vmem_shared>>
      %dma_start3A_449 = arith.constant 0 : i32
      %dma_start3A_450 = tpu.memref_slice %arg2[%squeeze3A_443, %dma_start3A_449] : memref<16384x2048xf32, #tpu.memory_space<hbm>> -> memref<1x2048xf32, #tpu.memory_space<hbm>>
      tpu.enqueue_dma source(%dma_start3A_450 : memref<1x2048xf32, #tpu.memory_space<hbm>>) target(%dma_start3A_448 : memref<1x2048xf32, #tpu.memory_space<vmem_shared>>) target_semaphore(%arg14 : memref<!tpu.dma_semaphore, #tpu.memory_space<semaphore_mem>>)
      %lt3A = arith.constant 7 : i32
      %lt3A_451 = arith.cmpi slt, %scan3A_202, %lt3A : i32
      %convert_element_type3A = arith.extui %lt3A_451 : i1 to i32
      %cond3A = arith.constant 0 : i32
      %cond3A_452 = arith.cmpi ne, %convert_element_type3A, %cond3A : i32
      scf.if %cond3A_452 {
        %mul3A_516 = arith.constant 32 : i32
        %mul3A_517 = arith.muli %mul3A_205, %mul3A_516 : i32
        %add3A_518 = arith.addi %mul3A_2, %mul3A_517 : i32
        %dma_wait3A_519 = arith.constant 0 : i32
        %dma_wait3A_520 = tpu.memref_slice %arg4[%add3A_518, %dma_wait3A_519] : memref<16384x2048xf32, #tpu.memory_space<hbm>> -> memref<16x2048xf32, #tpu.memory_space<hbm>>
        %dma_wait3A_521 = arith.constant 0 : i32
        %dma_wait3A_522 = tpu.memref_slice %arg4[%add3A_518, %dma_wait3A_521] : memref<16384x2048xf32, #tpu.memory_space<hbm>> -> memref<16x2048xf32, #tpu.memory_space<hbm>>
        tpu.wait_dma2 semaphore(%arg11 : memref<!tpu.dma_semaphore, #tpu.memory_space<semaphore_mem>>) src(%arg6 : memref<16x2048xf32, #tpu.memory_space<vmem>>) dst(%dma_wait3A_522 : memref<16x2048xf32, #tpu.memory_space<hbm>>)
        %add3A_523 = arith.constant 2 : i32
        %add3A_524 = arith.addi %mul3A_205, %add3A_523 : i32
        %mul3A_525 = arith.constant 32 : i32
        %mul3A_526 = arith.muli %add3A_524, %mul3A_525 : i32
        %dma_start3A_527 = tpu.memref_slice %arg5[%mul3A_526] : memref<512xi32, #tpu.memory_space<vmem>> -> memref<16xi32, #tpu.memory_space<vmem>>
        %dma_start3A_528 = arith.constant 0 : i32
        %dma_start3A_529 = arith.constant 0 : i32
        %dma_start3A_530 = tpu.memref_slice %arg2[%dma_start3A_528, %dma_start3A_529] : memref<16384x2048xf32, #tpu.memory_space<hbm>> -> memref<16384x2048xf32, #tpu.memory_space<hbm>>
        tpu.enqueue_indirect_dma source(%dma_start3A_530 : memref<16384x2048xf32, #tpu.memory_space<hbm>>) target(%arg6 : memref<16x2048xf32, #tpu.memory_space<vmem>>) offsets(%dma_start3A_527 : memref<16xi32, #tpu.memory_space<vmem>>) semaphore(%arg9 : memref<!tpu.dma_semaphore, #tpu.memory_space<semaphore_mem>>)
      } else {
      }
      %mul3A_453 = arith.constant 32 : i32
      %mul3A_454 = arith.muli %add3A_207, %mul3A_453 : i32
      %dma_wait3A_455 = tpu.memref_slice %arg5[%mul3A_454] : memref<512xi32, #tpu.memory_space<vmem>> -> memref<16xi32, #tpu.memory_space<vmem>>
      %dma_wait3A_456 = arith.constant 0 : i32
      %dma_wait3A_457 = arith.constant 0 : i32
      %dma_wait3A_458 = tpu.memref_slice %arg2[%dma_wait3A_456, %dma_wait3A_457] : memref<16384x2048xf32, #tpu.memory_space<hbm>> -> memref<16384x2048xf32, #tpu.memory_space<hbm>>
      tpu.wait_indirect_dma semaphore(%arg10 : memref<!tpu.dma_semaphore, #tpu.memory_space<semaphore_mem>>) src(%dma_wait3A_458 : memref<16384x2048xf32, #tpu.memory_space<hbm>>) dst(%arg7 : memref<16x2048xf32, #tpu.memory_space<vmem>>)
      %mul3A_459 = arith.constant 32 : i32
      %mul3A_460 = arith.muli %add3A_207, %mul3A_459 : i32
      %add3A_461 = arith.addi %mul3A_2, %mul3A_460 : i32
      %dma_start3A_462 = arith.constant 0 : i32
      %dma_start3A_463 = tpu.memref_slice %arg4[%add3A_461, %dma_start3A_462] : memref<16384x2048xf32, #tpu.memory_space<hbm>> -> memref<16x2048xf32, #tpu.memory_space<hbm>>
      %dma_start3A_464 = arith.constant 0 : i32
      %dma_start3A_465 = tpu.memref_slice %arg4[%add3A_461, %dma_start3A_464] : memref<16384x2048xf32, #tpu.memory_space<hbm>> -> memref<16x2048xf32, #tpu.memory_space<hbm>>
      tpu.enqueue_dma source(%arg7 : memref<16x2048xf32, #tpu.memory_space<vmem>>) target(%dma_start3A_465 : memref<16x2048xf32, #tpu.memory_space<hbm>>) target_semaphore(%arg12 : memref<!tpu.dma_semaphore, #tpu.memory_space<semaphore_mem>>)
      %dma_wait3A_466 = arith.constant 0 : i32
      %dma_wait3A_467 = arith.constant 0 : i32
      %dma_wait3A_468 = arith.constant 0 : i32
      %dma_wait3A_469 = tpu.memref_slice %arg8[%arg1, %dma_wait3A_466, %dma_wait3A_467, %dma_wait3A_468] : memref<16x2x8x2048xf32, #tpu.memory_space<vmem_shared>> -> memref<1x1x8x2048xf32, #tpu.memory_space<vmem_shared>>
      %dma_wait3A_470 = tpu.memref_squeeze %dma_wait3A_469 : memref<1x1x8x2048xf32, #tpu.memory_space<vmem_shared>> -> memref<8x2048xf32, #tpu.memory_space<vmem_shared>>
      %dma_wait3A_471 = arith.constant 0 : i32
      %dma_wait3A_472 = arith.constant 0 : i32
      %dma_wait3A_473 = tpu.memref_slice %arg2[%dma_wait3A_471, %dma_wait3A_472] : memref<16384x2048xf32, #tpu.memory_space<hbm>> -> memref<8x2048xf32, #tpu.memory_space<hbm>>
      tpu.wait_dma2 semaphore(%arg13 : memref<!tpu.dma_semaphore, #tpu.memory_space<semaphore_mem>>) src(%dma_wait3A_473 : memref<8x2048xf32, #tpu.memory_space<hbm>>) dst(%dma_wait3A_470 : memref<8x2048xf32, #tpu.memory_space<vmem_shared>>)
      %mul3A_474 = arith.constant 32 : i32
      %mul3A_475 = arith.muli %add3A_207, %mul3A_474 : i32
      %add3A_476 = arith.addi %mul3A_2, %mul3A_475 : i32
      %add3A_477 = arith.constant 16 : i32
      %add3A_478 = arith.addi %add3A_476, %add3A_477 : i32
      %add3A_479 = arith.constant 0 : i32
      %add3A_480 = arith.addi %add3A_478, %add3A_479 : i32
      %dma_start3A_481 = arith.constant 0 : i32
      %dma_start3A_482 = arith.constant 0 : i32
      %dma_start3A_483 = tpu.memref_slice %arg4[%add3A_480, %dma_start3A_482] : memref<16384x2048xf32, #tpu.memory_space<hbm>> -> memref<8x2048xf32, #tpu.memory_space<hbm>>
      %dma_start3A_484 = arith.constant 0 : i32
      %dma_start3A_485 = arith.constant 0 : i32
      %dma_start3A_486 = tpu.memref_slice %arg8[%arg1, %dma_start3A_481, %dma_start3A_484, %dma_start3A_485] : memref<16x2x8x2048xf32, #tpu.memory_space<vmem_shared>> -> memref<1x1x8x2048xf32, #tpu.memory_space<vmem_shared>>
      %dma_start3A_487 = tpu.memref_squeeze %dma_start3A_486 : memref<1x1x8x2048xf32, #tpu.memory_space<vmem_shared>> -> memref<8x2048xf32, #tpu.memory_space<vmem_shared>>
      tpu.enqueue_dma source(%dma_start3A_487 : memref<8x2048xf32, #tpu.memory_space<vmem_shared>>) target(%dma_start3A_483 : memref<8x2048xf32, #tpu.memory_space<hbm>>) target_semaphore(%arg15 : memref<!tpu.dma_semaphore, #tpu.memory_space<semaphore_mem>>)
      %dma_wait3A_488 = arith.constant 1 : i32
      %dma_wait3A_489 = arith.constant 0 : i32
      %dma_wait3A_490 = arith.constant 0 : i32
      %dma_wait3A_491 = tpu.memref_slice %arg8[%arg1, %dma_wait3A_488, %dma_wait3A_489, %dma_wait3A_490] : memref<16x2x8x2048xf32, #tpu.memory_space<vmem_shared>> -> memref<1x1x8x2048xf32, #tpu.memory_space<vmem_shared>>
      %dma_wait3A_492 = tpu.memref_squeeze %dma_wait3A_491 : memref<1x1x8x2048xf32, #tpu.memory_space<vmem_shared>> -> memref<8x2048xf32, #tpu.memory_space<vmem_shared>>
      %dma_wait3A_493 = arith.constant 0 : i32
      %dma_wait3A_494 = arith.constant 0 : i32
      %dma_wait3A_495 = tpu.memref_slice %arg2[%dma_wait3A_493, %dma_wait3A_494] : memref<16384x2048xf32, #tpu.memory_space<hbm>> -> memref<8x2048xf32, #tpu.memory_space<hbm>>
      tpu.wait_dma2 semaphore(%arg14 : memref<!tpu.dma_semaphore, #tpu.memory_space<semaphore_mem>>) src(%dma_wait3A_495 : memref<8x2048xf32, #tpu.memory_space<hbm>>) dst(%dma_wait3A_492 : memref<8x2048xf32, #tpu.memory_space<vmem_shared>>)
      %mul3A_496 = arith.constant 32 : i32
      %mul3A_497 = arith.muli %add3A_207, %mul3A_496 : i32
      %add3A_498 = arith.addi %mul3A_2, %mul3A_497 : i32
      %add3A_499 = arith.constant 16 : i32
      %add3A_500 = arith.addi %add3A_498, %add3A_499 : i32
      %add3A_501 = arith.constant 8 : i32
      %add3A_502 = arith.addi %add3A_500, %add3A_501 : i32
      %dma_start3A_503 = arith.constant 1 : i32
      %dma_start3A_504 = arith.constant 0 : i32
      %dma_start3A_505 = tpu.memref_slice %arg4[%add3A_502, %dma_start3A_504] : memref<16384x2048xf32, #tpu.memory_space<hbm>> -> memref<8x2048xf32, #tpu.memory_space<hbm>>
      %dma_start3A_506 = arith.constant 0 : i32
      %dma_start3A_507 = arith.constant 0 : i32
      %dma_start3A_508 = tpu.memref_slice %arg8[%arg1, %dma_start3A_503, %dma_start3A_506, %dma_start3A_507] : memref<16x2x8x2048xf32, #tpu.memory_space<vmem_shared>> -> memref<1x1x8x2048xf32, #tpu.memory_space<vmem_shared>>
      %dma_start3A_509 = tpu.memref_squeeze %dma_start3A_508 : memref<1x1x8x2048xf32, #tpu.memory_space<vmem_shared>> -> memref<8x2048xf32, #tpu.memory_space<vmem_shared>>
      tpu.enqueue_dma source(%dma_start3A_509 : memref<8x2048xf32, #tpu.memory_space<vmem_shared>>) target(%dma_start3A_505 : memref<8x2048xf32, #tpu.memory_space<hbm>>) target_semaphore(%arg16 : memref<!tpu.dma_semaphore, #tpu.memory_space<semaphore_mem>>)
      %lt3A_510 = arith.constant 7 : i32
      %lt3A_511 = arith.cmpi slt, %scan3A_202, %lt3A_510 : i32
      %convert_element_type3A_512 = arith.extui %lt3A_511 : i1 to i32
      %cond3A_513 = arith.constant 0 : i32
      %cond3A_514 = arith.cmpi ne, %convert_element_type3A_512, %cond3A_513 : i32
      scf.if %cond3A_514 {
        %mul3A_516 = arith.constant 32 : i32
        %mul3A_517 = arith.muli %add3A_207, %mul3A_516 : i32
        %add3A_518 = arith.addi %mul3A_2, %mul3A_517 : i32
        %add3A_519 = arith.constant 16 : i32
        %add3A_520 = arith.addi %add3A_518, %add3A_519 : i32
        %add3A_521 = arith.constant 0 : i32
        %add3A_522 = arith.addi %add3A_520, %add3A_521 : i32
        %dma_wait3A_523 = arith.constant 0 : i32
        %dma_wait3A_524 = arith.constant 0 : i32
        %dma_wait3A_525 = tpu.memref_slice %arg4[%add3A_522, %dma_wait3A_524] : memref<16384x2048xf32, #tpu.memory_space<hbm>> -> memref<8x2048xf32, #tpu.memory_space<hbm>>
        %dma_wait3A_526 = arith.constant 0 : i32
        %dma_wait3A_527 = arith.constant 0 : i32
        %dma_wait3A_528 = tpu.memref_slice %arg8[%arg1, %dma_wait3A_523, %dma_wait3A_526, %dma_wait3A_527] : memref<16x2x8x2048xf32, #tpu.memory_space<vmem_shared>> -> memref<1x1x8x2048xf32, #tpu.memory_space<vmem_shared>>
        %dma_wait3A_529 = tpu.memref_squeeze %dma_wait3A_528 : memref<1x1x8x2048xf32, #tpu.memory_space<vmem_shared>> -> memref<8x2048xf32, #tpu.memory_space<vmem_shared>>
        tpu.wait_dma2 semaphore(%arg15 : memref<!tpu.dma_semaphore, #tpu.memory_space<semaphore_mem>>) src(%dma_wait3A_529 : memref<8x2048xf32, #tpu.memory_space<vmem_shared>>) dst(%dma_wait3A_525 : memref<8x2048xf32, #tpu.memory_space<hbm>>)
        %add3A_530 = arith.constant 1 : i32
        %add3A_531 = arith.addi %add3A_207, %add3A_530 : i32
        %mul3A_532 = arith.constant 32 : i32
        %mul3A_533 = arith.muli %add3A_531, %mul3A_532 : i32
        %add3A_534 = arith.constant 16 : i32
        %add3A_535 = arith.addi %mul3A_533, %add3A_534 : i32
        %get3A_536 = arith.index_cast %add3A_535 : i32 to index
        %get3A_537 = tpu.vector_load %arg5[%get3A_536] {strides = array<i32>} : memref<512xi32, #tpu.memory_space<vmem>>, vector<16xi32>,
        %get3A_538 = vector.shape_cast %get3A_537 : vector<16xi32> to vector<16xi32>
        %slice3A_539 = vector.extract_strided_slice %get3A_538 {offsets = [0], sizes = [1], strides = [1]} : vector<16xi32> to vector<1xi32>
        %squeeze3A_540 = vector.extract %slice3A_539[0] : i32 from vector<1xi32>
        %dma_start3A_541 = arith.constant 0 : i32
        %dma_start3A_542 = arith.constant 0 : i32
        %dma_start3A_543 = arith.constant 0 : i32
        %dma_start3A_544 = tpu.memref_slice %arg8[%arg1, %dma_start3A_541, %dma_start3A_542, %dma_start3A_543] : memref<16x2x8x2048xf32, #tpu.memory_space<vmem_shared>> -> memref<1x1x1x2048xf32, #tpu.memory_space<vmem_shared>>
        %dma_start3A_545 = tpu.memref_squeeze %dma_start3A_544 : memref<1x1x1x2048xf32, #tpu.memory_space<vmem_shared>> -> memref<1x2048xf32, #tpu.memory_space<vmem_shared>>
        %dma_start3A_546 = arith.constant 0 : i32
        %dma_start3A_547 = tpu.memref_slice %arg2[%squeeze3A_540, %dma_start3A_546] : memref<16384x2048xf32, #tpu.memory_space<hbm>> -> memref<1x2048xf32, #tpu.memory_space<hbm>>
        tpu.enqueue_dma source(%dma_start3A_547 : memref<1x2048xf32, #tpu.memory_space<hbm>>) target(%dma_start3A_545 : memref<1x2048xf32, #tpu.memory_space<vmem_shared>>) target_semaphore(%arg13 : memref<!tpu.dma_semaphore, #tpu.memory_space<semaphore_mem>>)
        %slice3A_548 = vector.extract_strided_slice %get3A_538 {offsets = [1], sizes = [1], strides = [1]} : vector<16xi32> to vector<1xi32>
        %squeeze3A_549 = vector.extract %slice3A_548[0] : i32 from vector<1xi32>
        %dma_start3A_550 = arith.constant 0 : i32
        %dma_start3A_551 = arith.constant 1 : i32
        %dma_start3A_552 = arith.constant 0 : i32
        %dma_start3A_553 = tpu.memref_slice %arg8[%arg1, %dma_start3A_550, %dma_start3A_551, %dma_start3A_552] : memref<16x2x8x2048xf32, #tpu.memory_space<vmem_shared>> -> memref<1x1x1x2048xf32, #tpu.memory_space<vmem_shared>>
        %dma_start3A_554 = tpu.memref_squeeze %dma_start3A_553 : memref<1x1x1x2048xf32, #tpu.memory_space<vmem_shared>> -> memref<1x2048xf32, #tpu.memory_space<vmem_shared>>
        %dma_start3A_555 = arith.constant 0 : i32
        %dma_start3A_556 = tpu.memref_slice %arg2[%squeeze3A_549, %dma_start3A_555] : memref<16384x2048xf32, #tpu.memory_space<hbm>> -> memref<1x2048xf32, #tpu.memory_space<hbm>>
        tpu.enqueue_dma source(%dma_start3A_556 : memref<1x2048xf32, #tpu.memory_space<hbm>>) target(%dma_start3A_554 : memref<1x2048xf32, #tpu.memory_space<vmem_shared>>) target_semaphore(%arg13 : memref<!tpu.dma_semaphore, #tpu.memory_space<semaphore_mem>>)
        %slice3A_557 = vector.extract_strided_slice %get3A_538 {offsets = [2], sizes = [1], strides = [1]} : vector<16xi32> to vector<1xi32>
        %squeeze3A_558 = vector.extract %slice3A_557[0] : i32 from vector<1xi32>
        %dma_start3A_559 = arith.constant 0 : i32
        %dma_start3A_560 = arith.constant 2 : i32
        %dma_start3A_561 = arith.constant 0 : i32
        %dma_start3A_562 = tpu.memref_slice %arg8[%arg1, %dma_start3A_559, %dma_start3A_560, %dma_start3A_561] : memref<16x2x8x2048xf32, #tpu.memory_space<vmem_shared>> -> memref<1x1x1x2048xf32, #tpu.memory_space<vmem_shared>>
        %dma_start3A_563 = tpu.memref_squeeze %dma_start3A_562 : memref<1x1x1x2048xf32, #tpu.memory_space<vmem_shared>> -> memref<1x2048xf32, #tpu.memory_space<vmem_shared>>
        %dma_start3A_564 = arith.constant 0 : i32
        %dma_start3A_565 = tpu.memref_slice %arg2[%squeeze3A_558, %dma_start3A_564] : memref<16384x2048xf32, #tpu.memory_space<hbm>> -> memref<1x2048xf32, #tpu.memory_space<hbm>>
        tpu.enqueue_dma source(%dma_start3A_565 : memref<1x2048xf32, #tpu.memory_space<hbm>>) target(%dma_start3A_563 : memref<1x2048xf32, #tpu.memory_space<vmem_shared>>) target_semaphore(%arg13 : memref<!tpu.dma_semaphore, #tpu.memory_space<semaphore_mem>>)
        %slice3A_566 = vector.extract_strided_slice %get3A_538 {offsets = [3], sizes = [1], strides = [1]} : vector<16xi32> to vector<1xi32>
        %squeeze3A_567 = vector.extract %slice3A_566[0] : i32 from vector<1xi32>
        %dma_start3A_568 = arith.constant 0 : i32
        %dma_start3A_569 = arith.constant 3 : i32
        %dma_start3A_570 = arith.constant 0 : i32
        %dma_start3A_571 = tpu.memref_slice %arg8[%arg1, %dma_start3A_568, %dma_start3A_569, %dma_start3A_570] : memref<16x2x8x2048xf32, #tpu.memory_space<vmem_shared>> -> memref<1x1x1x2048xf32, #tpu.memory_space<vmem_shared>>
        %dma_start3A_572 = tpu.memref_squeeze %dma_start3A_571 : memref<1x1x1x2048xf32, #tpu.memory_space<vmem_shared>> -> memref<1x2048xf32, #tpu.memory_space<vmem_shared>>
        %dma_start3A_573 = arith.constant 0 : i32
        %dma_start3A_574 = tpu.memref_slice %arg2[%squeeze3A_567, %dma_start3A_573] : memref<16384x2048xf32, #tpu.memory_space<hbm>> -> memref<1x2048xf32, #tpu.memory_space<hbm>>
        tpu.enqueue_dma source(%dma_start3A_574 : memref<1x2048xf32, #tpu.memory_space<hbm>>) target(%dma_start3A_572 : memref<1x2048xf32, #tpu.memory_space<vmem_shared>>) target_semaphore(%arg13 : memref<!tpu.dma_semaphore, #tpu.memory_space<semaphore_mem>>)
        %slice3A_575 = vector.extract_strided_slice %get3A_538 {offsets = [4], sizes = [1], strides = [1]} : vector<16xi32> to vector<1xi32>
        %squeeze3A_576 = vector.extract %slice3A_575[0] : i32 from vector<1xi32>
        %dma_start3A_577 = arith.constant 0 : i32
        %dma_start3A_578 = arith.constant 4 : i32
        %dma_start3A_579 = arith.constant 0 : i32
        %dma_start3A_580 = tpu.memref_slice %arg8[%arg1, %dma_start3A_577, %dma_start3A_578, %dma_start3A_579] : memref<16x2x8x2048xf32, #tpu.memory_space<vmem_shared>> -> memref<1x1x1x2048xf32, #tpu.memory_space<vmem_shared>>
        %dma_start3A_581 = tpu.memref_squeeze %dma_start3A_580 : memref<1x1x1x2048xf32, #tpu.memory_space<vmem_shared>> -> memref<1x2048xf32, #tpu.memory_space<vmem_shared>>
        %dma_start3A_582 = arith.constant 0 : i32
        %dma_start3A_583 = tpu.memref_slice %arg2[%squeeze3A_576, %dma_start3A_582] : memref<16384x2048xf32, #tpu.memory_space<hbm>> -> memref<1x2048xf32, #tpu.memory_space<hbm>>
        tpu.enqueue_dma source(%dma_start3A_583 : memref<1x2048xf32, #tpu.memory_space<hbm>>) target(%dma_start3A_581 : memref<1x2048xf32, #tpu.memory_space<vmem_shared>>) target_semaphore(%arg13 : memref<!tpu.dma_semaphore, #tpu.memory_space<semaphore_mem>>)
        %slice3A_584 = vector.extract_strided_slice %get3A_538 {offsets = [5], sizes = [1], strides = [1]} : vector<16xi32> to vector<1xi32>
        %squeeze3A_585 = vector.extract %slice3A_584[0] : i32 from vector<1xi32>
        %dma_start3A_586 = arith.constant 0 : i32
        %dma_start3A_587 = arith.constant 5 : i32
        %dma_start3A_588 = arith.constant 0 : i32
        %dma_start3A_589 = tpu.memref_slice %arg8[%arg1, %dma_start3A_586, %dma_start3A_587, %dma_start3A_588] : memref<16x2x8x2048xf32, #tpu.memory_space<vmem_shared>> -> memref<1x1x1x2048xf32, #tpu.memory_space<vmem_shared>>
        %dma_start3A_590 = tpu.memref_squeeze %dma_start3A_589 : memref<1x1x1x2048xf32, #tpu.memory_space<vmem_shared>> -> memref<1x2048xf32, #tpu.memory_space<vmem_shared>>
        %dma_start3A_591 = arith.constant 0 : i32
        %dma_start3A_592 = tpu.memref_slice %arg2[%squeeze3A_585, %dma_start3A_591] : memref<16384x2048xf32, #tpu.memory_space<hbm>> -> memref<1x2048xf32, #tpu.memory_space<hbm>>
        tpu.enqueue_dma source(%dma_start3A_592 : memref<1x2048xf32, #tpu.memory_space<hbm>>) target(%dma_start3A_590 : memref<1x2048xf32, #tpu.memory_space<vmem_shared>>) target_semaphore(%arg13 : memref<!tpu.dma_semaphore, #tpu.memory_space<semaphore_mem>>)
        %slice3A_593 = vector.extract_strided_slice %get3A_538 {offsets = [6], sizes = [1], strides = [1]} : vector<16xi32> to vector<1xi32>
        %squeeze3A_594 = vector.extract %slice3A_593[0] : i32 from vector<1xi32>
        %dma_start3A_595 = arith.constant 0 : i32
        %dma_start3A_596 = arith.constant 6 : i32
        %dma_start3A_597 = arith.constant 0 : i32
        %dma_start3A_598 = tpu.memref_slice %arg8[%arg1, %dma_start3A_595, %dma_start3A_596, %dma_start3A_597] : memref<16x2x8x2048xf32, #tpu.memory_space<vmem_shared>> -> memref<1x1x1x2048xf32, #tpu.memory_space<vmem_shared>>
        %dma_start3A_599 = tpu.memref_squeeze %dma_start3A_598 : memref<1x1x1x2048xf32, #tpu.memory_space<vmem_shared>> -> memref<1x2048xf32, #tpu.memory_space<vmem_shared>>
        %dma_start3A_600 = arith.constant 0 : i32
        %dma_start3A_601 = tpu.memref_slice %arg2[%squeeze3A_594, %dma_start3A_600] : memref<16384x2048xf32, #tpu.memory_space<hbm>> -> memref<1x2048xf32, #tpu.memory_space<hbm>>
        tpu.enqueue_dma source(%dma_start3A_601 : memref<1x2048xf32, #tpu.memory_space<hbm>>) target(%dma_start3A_599 : memref<1x2048xf32, #tpu.memory_space<vmem_shared>>) target_semaphore(%arg13 : memref<!tpu.dma_semaphore, #tpu.memory_space<semaphore_mem>>)
        %slice3A_602 = vector.extract_strided_slice %get3A_538 {offsets = [7], sizes = [1], strides = [1]} : vector<16xi32> to vector<1xi32>
        %squeeze3A_603 = vector.extract %slice3A_602[0] : i32 from vector<1xi32>
        %dma_start3A_604 = arith.constant 0 : i32
        %dma_start3A_605 = arith.constant 7 : i32
        %dma_start3A_606 = arith.constant 0 : i32
        %dma_start3A_607 = tpu.memref_slice %arg8[%arg1, %dma_start3A_604, %dma_start3A_605, %dma_start3A_606] : memref<16x2x8x2048xf32, #tpu.memory_space<vmem_shared>> -> memref<1x1x1x2048xf32, #tpu.memory_space<vmem_shared>>
        %dma_start3A_608 = tpu.memref_squeeze %dma_start3A_607 : memref<1x1x1x2048xf32, #tpu.memory_space<vmem_shared>> -> memref<1x2048xf32, #tpu.memory_space<vmem_shared>>
        %dma_start3A_609 = arith.constant 0 : i32
        %dma_start3A_610 = tpu.memref_slice %arg2[%squeeze3A_603, %dma_start3A_609] : memref<16384x2048xf32, #tpu.memory_space<hbm>> -> memref<1x2048xf32, #tpu.memory_space<hbm>>
        tpu.enqueue_dma source(%dma_start3A_610 : memref<1x2048xf32, #tpu.memory_space<hbm>>) target(%dma_start3A_608 : memref<1x2048xf32, #tpu.memory_space<vmem_shared>>) target_semaphore(%arg13 : memref<!tpu.dma_semaphore, #tpu.memory_space<semaphore_mem>>)
        %mul3A_611 = arith.constant 32 : i32
        %mul3A_612 = arith.muli %add3A_207, %mul3A_611 : i32
        %add3A_613 = arith.addi %mul3A_2, %mul3A_612 : i32
        %add3A_614 = arith.constant 16 : i32
        %add3A_615 = arith.addi %add3A_613, %add3A_614 : i32
        %add3A_616 = arith.constant 8 : i32
        %add3A_617 = arith.addi %add3A_615, %add3A_616 : i32
        %dma_wait3A_618 = arith.constant 1 : i32
        %dma_wait3A_619 = arith.constant 0 : i32
        %dma_wait3A_620 = tpu.memref_slice %arg4[%add3A_617, %dma_wait3A_619] : memref<16384x2048xf32, #tpu.memory_space<hbm>> -> memref<8x2048xf32, #tpu.memory_space<hbm>>
        %dma_wait3A_621 = arith.constant 0 : i32
        %dma_wait3A_622 = arith.constant 0 : i32
        %dma_wait3A_623 = tpu.memref_slice %arg8[%arg1, %dma_wait3A_618, %dma_wait3A_621, %dma_wait3A_622] : memref<16x2x8x2048xf32, #tpu.memory_space<vmem_shared>> -> memref<1x1x8x2048xf32, #tpu.memory_space<vmem_shared>>
        %dma_wait3A_624 = tpu.memref_squeeze %dma_wait3A_623 : memref<1x1x8x2048xf32, #tpu.memory_space<vmem_shared>> -> memref<8x2048xf32, #tpu.memory_space<vmem_shared>>
        tpu.wait_dma2 semaphore(%arg16 : memref<!tpu.dma_semaphore, #tpu.memory_space<semaphore_mem>>) src(%dma_wait3A_624 : memref<8x2048xf32, #tpu.memory_space<vmem_shared>>) dst(%dma_wait3A_620 : memref<8x2048xf32, #tpu.memory_space<hbm>>)
        %add3A_625 = arith.constant 1 : i32
        %add3A_626 = arith.addi %add3A_207, %add3A_625 : i32
        %mul3A_627 = arith.constant 32 : i32
        %mul3A_628 = arith.muli %add3A_626, %mul3A_627 : i32
        %add3A_629 = arith.constant 16 : i32
        %add3A_630 = arith.addi %mul3A_628, %add3A_629 : i32
        %get3A_631 = arith.index_cast %add3A_630 : i32 to index
        %get3A_632 = tpu.vector_load %arg5[%get3A_631] {strides = array<i32>} : memref<512xi32, #tpu.memory_space<vmem>>, vector<16xi32>,
        %get3A_633 = vector.shape_cast %get3A_632 : vector<16xi32> to vector<16xi32>
        %slice3A_634 = vector.extract_strided_slice %get3A_633 {offsets = [8], sizes = [1], strides = [1]} : vector<16xi32> to vector<1xi32>
        %squeeze3A_635 = vector.extract %slice3A_634[0] : i32 from vector<1xi32>
        %dma_start3A_636 = arith.constant 1 : i32
        %dma_start3A_637 = arith.constant 0 : i32
        %dma_start3A_638 = arith.constant 0 : i32
        %dma_start3A_639 = tpu.memref_slice %arg8[%arg1, %dma_start3A_636, %dma_start3A_637, %dma_start3A_638] : memref<16x2x8x2048xf32, #tpu.memory_space<vmem_shared>> -> memref<1x1x1x2048xf32, #tpu.memory_space<vmem_shared>>
        %dma_start3A_640 = tpu.memref_squeeze %dma_start3A_639 : memref<1x1x1x2048xf32, #tpu.memory_space<vmem_shared>> -> memref<1x2048xf32, #tpu.memory_space<vmem_shared>>
        %dma_start3A_641 = arith.constant 0 : i32
        %dma_start3A_642 = tpu.memref_slice %arg2[%squeeze3A_635, %dma_start3A_641] : memref<16384x2048xf32, #tpu.memory_space<hbm>> -> memref<1x2048xf32, #tpu.memory_space<hbm>>
        tpu.enqueue_dma source(%dma_start3A_642 : memref<1x2048xf32, #tpu.memory_space<hbm>>) target(%dma_start3A_640 : memref<1x2048xf32, #tpu.memory_space<vmem_shared>>) target_semaphore(%arg14 : memref<!tpu.dma_semaphore, #tpu.memory_space<semaphore_mem>>)
        %slice3A_643 = vector.extract_strided_slice %get3A_633 {offsets = [9], sizes = [1], strides = [1]} : vector<16xi32> to vector<1xi32>
        %squeeze3A_644 = vector.extract %slice3A_643[0] : i32 from vector<1xi32>
        %dma_start3A_645 = arith.constant 1 : i32
        %dma_start3A_646 = arith.constant 1 : i32
        %dma_start3A_647 = arith.constant 0 : i32
        %dma_start3A_648 = tpu.memref_slice %arg8[%arg1, %dma_start3A_645, %dma_start3A_646, %dma_start3A_647] : memref<16x2x8x2048xf32, #tpu.memory_space<vmem_shared>> -> memref<1x1x1x2048xf32, #tpu.memory_space<vmem_shared>>
        %dma_start3A_649 = tpu.memref_squeeze %dma_start3A_648 : memref<1x1x1x2048xf32, #tpu.memory_space<vmem_shared>> -> memref<1x2048xf32, #tpu.memory_space<vmem_shared>>
        %dma_start3A_650 = arith.constant 0 : i32
        %dma_start3A_651 = tpu.memref_slice %arg2[%squeeze3A_644, %dma_start3A_650] : memref<16384x2048xf32, #tpu.memory_space<hbm>> -> memref<1x2048xf32, #tpu.memory_space<hbm>>
        tpu.enqueue_dma source(%dma_start3A_651 : memref<1x2048xf32, #tpu.memory_space<hbm>>) target(%dma_start3A_649 : memref<1x2048xf32, #tpu.memory_space<vmem_shared>>) target_semaphore(%arg14 : memref<!tpu.dma_semaphore, #tpu.memory_space<semaphore_mem>>)
        %slice3A_652 = vector.extract_strided_slice %get3A_633 {offsets = [10], sizes = [1], strides = [1]} : vector<16xi32> to vector<1xi32>
        %squeeze3A_653 = vector.extract %slice3A_652[0] : i32 from vector<1xi32>
        %dma_start3A_654 = arith.constant 1 : i32
        %dma_start3A_655 = arith.constant 2 : i32
        %dma_start3A_656 = arith.constant 0 : i32
        %dma_start3A_657 = tpu.memref_slice %arg8[%arg1, %dma_start3A_654, %dma_start3A_655, %dma_start3A_656] : memref<16x2x8x2048xf32, #tpu.memory_space<vmem_shared>> -> memref<1x1x1x2048xf32, #tpu.memory_space<vmem_shared>>
        %dma_start3A_658 = tpu.memref_squeeze %dma_start3A_657 : memref<1x1x1x2048xf32, #tpu.memory_space<vmem_shared>> -> memref<1x2048xf32, #tpu.memory_space<vmem_shared>>
        %dma_start3A_659 = arith.constant 0 : i32
        %dma_start3A_660 = tpu.memref_slice %arg2[%squeeze3A_653, %dma_start3A_659] : memref<16384x2048xf32, #tpu.memory_space<hbm>> -> memref<1x2048xf32, #tpu.memory_space<hbm>>
        tpu.enqueue_dma source(%dma_start3A_660 : memref<1x2048xf32, #tpu.memory_space<hbm>>) target(%dma_start3A_658 : memref<1x2048xf32, #tpu.memory_space<vmem_shared>>) target_semaphore(%arg14 : memref<!tpu.dma_semaphore, #tpu.memory_space<semaphore_mem>>)
        %slice3A_661 = vector.extract_strided_slice %get3A_633 {offsets = [11], sizes = [1], strides = [1]} : vector<16xi32> to vector<1xi32>
        %squeeze3A_662 = vector.extract %slice3A_661[0] : i32 from vector<1xi32>
        %dma_start3A_663 = arith.constant 1 : i32
        %dma_start3A_664 = arith.constant 3 : i32
        %dma_start3A_665 = arith.constant 0 : i32
        %dma_start3A_666 = tpu.memref_slice %arg8[%arg1, %dma_start3A_663, %dma_start3A_664, %dma_start3A_665] : memref<16x2x8x2048xf32, #tpu.memory_space<vmem_shared>> -> memref<1x1x1x2048xf32, #tpu.memory_space<vmem_shared>>
        %dma_start3A_667 = tpu.memref_squeeze %dma_start3A_666 : memref<1x1x1x2048xf32, #tpu.memory_space<vmem_shared>> -> memref<1x2048xf32, #tpu.memory_space<vmem_shared>>
        %dma_start3A_668 = arith.constant 0 : i32
        %dma_start3A_669 = tpu.memref_slice %arg2[%squeeze3A_662, %dma_start3A_668] : memref<16384x2048xf32, #tpu.memory_space<hbm>> -> memref<1x2048xf32, #tpu.memory_space<hbm>>
        tpu.enqueue_dma source(%dma_start3A_669 : memref<1x2048xf32, #tpu.memory_space<hbm>>) target(%dma_start3A_667 : memref<1x2048xf32, #tpu.memory_space<vmem_shared>>) target_semaphore(%arg14 : memref<!tpu.dma_semaphore, #tpu.memory_space<semaphore_mem>>)
        %slice3A_670 = vector.extract_strided_slice %get3A_633 {offsets = [12], sizes = [1], strides = [1]} : vector<16xi32> to vector<1xi32>
        %squeeze3A_671 = vector.extract %slice3A_670[0] : i32 from vector<1xi32>
        %dma_start3A_672 = arith.constant 1 : i32
        %dma_start3A_673 = arith.constant 4 : i32
        %dma_start3A_674 = arith.constant 0 : i32
        %dma_start3A_675 = tpu.memref_slice %arg8[%arg1, %dma_start3A_672, %dma_start3A_673, %dma_start3A_674] : memref<16x2x8x2048xf32, #tpu.memory_space<vmem_shared>> -> memref<1x1x1x2048xf32, #tpu.memory_space<vmem_shared>>
        %dma_start3A_676 = tpu.memref_squeeze %dma_start3A_675 : memref<1x1x1x2048xf32, #tpu.memory_space<vmem_shared>> -> memref<1x2048xf32, #tpu.memory_space<vmem_shared>>
        %dma_start3A_677 = arith.constant 0 : i32
        %dma_start3A_678 = tpu.memref_slice %arg2[%squeeze3A_671, %dma_start3A_677] : memref<16384x2048xf32, #tpu.memory_space<hbm>> -> memref<1x2048xf32, #tpu.memory_space<hbm>>
        tpu.enqueue_dma source(%dma_start3A_678 : memref<1x2048xf32, #tpu.memory_space<hbm>>) target(%dma_start3A_676 : memref<1x2048xf32, #tpu.memory_space<vmem_shared>>) target_semaphore(%arg14 : memref<!tpu.dma_semaphore, #tpu.memory_space<semaphore_mem>>)
        %slice3A_679 = vector.extract_strided_slice %get3A_633 {offsets = [13], sizes = [1], strides = [1]} : vector<16xi32> to vector<1xi32>
        %squeeze3A_680 = vector.extract %slice3A_679[0] : i32 from vector<1xi32>
        %dma_start3A_681 = arith.constant 1 : i32
        %dma_start3A_682 = arith.constant 5 : i32
        %dma_start3A_683 = arith.constant 0 : i32
        %dma_start3A_684 = tpu.memref_slice %arg8[%arg1, %dma_start3A_681, %dma_start3A_682, %dma_start3A_683] : memref<16x2x8x2048xf32, #tpu.memory_space<vmem_shared>> -> memref<1x1x1x2048xf32, #tpu.memory_space<vmem_shared>>
        %dma_start3A_685 = tpu.memref_squeeze %dma_start3A_684 : memref<1x1x1x2048xf32, #tpu.memory_space<vmem_shared>> -> memref<1x2048xf32, #tpu.memory_space<vmem_shared>>
        %dma_start3A_686 = arith.constant 0 : i32
        %dma_start3A_687 = tpu.memref_slice %arg2[%squeeze3A_680, %dma_start3A_686] : memref<16384x2048xf32, #tpu.memory_space<hbm>> -> memref<1x2048xf32, #tpu.memory_space<hbm>>
        tpu.enqueue_dma source(%dma_start3A_687 : memref<1x2048xf32, #tpu.memory_space<hbm>>) target(%dma_start3A_685 : memref<1x2048xf32, #tpu.memory_space<vmem_shared>>) target_semaphore(%arg14 : memref<!tpu.dma_semaphore, #tpu.memory_space<semaphore_mem>>)
        %slice3A_688 = vector.extract_strided_slice %get3A_633 {offsets = [14], sizes = [1], strides = [1]} : vector<16xi32> to vector<1xi32>
        %squeeze3A_689 = vector.extract %slice3A_688[0] : i32 from vector<1xi32>
        %dma_start3A_690 = arith.constant 1 : i32
        %dma_start3A_691 = arith.constant 6 : i32
        %dma_start3A_692 = arith.constant 0 : i32
        %dma_start3A_693 = tpu.memref_slice %arg8[%arg1, %dma_start3A_690, %dma_start3A_691, %dma_start3A_692] : memref<16x2x8x2048xf32, #tpu.memory_space<vmem_shared>> -> memref<1x1x1x2048xf32, #tpu.memory_space<vmem_shared>>
        %dma_start3A_694 = tpu.memref_squeeze %dma_start3A_693 : memref<1x1x1x2048xf32, #tpu.memory_space<vmem_shared>> -> memref<1x2048xf32, #tpu.memory_space<vmem_shared>>
        %dma_start3A_695 = arith.constant 0 : i32
        %dma_start3A_696 = tpu.memref_slice %arg2[%squeeze3A_689, %dma_start3A_695] : memref<16384x2048xf32, #tpu.memory_space<hbm>> -> memref<1x2048xf32, #tpu.memory_space<hbm>>
        tpu.enqueue_dma source(%dma_start3A_696 : memref<1x2048xf32, #tpu.memory_space<hbm>>) target(%dma_start3A_694 : memref<1x2048xf32, #tpu.memory_space<vmem_shared>>) target_semaphore(%arg14 : memref<!tpu.dma_semaphore, #tpu.memory_space<semaphore_mem>>)
        %slice3A_697 = vector.extract_strided_slice %get3A_633 {offsets = [15], sizes = [1], strides = [1]} : vector<16xi32> to vector<1xi32>
        %squeeze3A_698 = vector.extract %slice3A_697[0] : i32 from vector<1xi32>
        %dma_start3A_699 = arith.constant 1 : i32
        %dma_start3A_700 = arith.constant 7 : i32
        %dma_start3A_701 = arith.constant 0 : i32
        %dma_start3A_702 = tpu.memref_slice %arg8[%arg1, %dma_start3A_699, %dma_start3A_700, %dma_start3A_701] : memref<16x2x8x2048xf32, #tpu.memory_space<vmem_shared>> -> memref<1x1x1x2048xf32, #tpu.memory_space<vmem_shared>>
        %dma_start3A_703 = tpu.memref_squeeze %dma_start3A_702 : memref<1x1x1x2048xf32, #tpu.memory_space<vmem_shared>> -> memref<1x2048xf32, #tpu.memory_space<vmem_shared>>
        %dma_start3A_704 = arith.constant 0 : i32
        %dma_start3A_705 = tpu.memref_slice %arg2[%squeeze3A_698, %dma_start3A_704] : memref<16384x2048xf32, #tpu.memory_space<hbm>> -> memref<1x2048xf32, #tpu.memory_space<hbm>>
        tpu.enqueue_dma source(%dma_start3A_705 : memref<1x2048xf32, #tpu.memory_space<hbm>>) target(%dma_start3A_703 : memref<1x2048xf32, #tpu.memory_space<vmem_shared>>) target_semaphore(%arg14 : memref<!tpu.dma_semaphore, #tpu.memory_space<semaphore_mem>>)
        %mul3A_706 = arith.constant 32 : i32
        %mul3A_707 = arith.muli %add3A_207, %mul3A_706 : i32
        %add3A_708 = arith.addi %mul3A_2, %mul3A_707 : i32
        %dma_wait3A_709 = arith.constant 0 : i32
        %dma_wait3A_710 = tpu.memref_slice %arg4[%add3A_708, %dma_wait3A_709] : memref<16384x2048xf32, #tpu.memory_space<hbm>> -> memref<16x2048xf32, #tpu.memory_space<hbm>>
        %dma_wait3A_711 = arith.constant 0 : i32
        %dma_wait3A_712 = tpu.memref_slice %arg4[%add3A_708, %dma_wait3A_711] : memref<16384x2048xf32, #tpu.memory_space<hbm>> -> memref<16x2048xf32, #tpu.memory_space<hbm>>
        tpu.wait_dma2 semaphore(%arg12 : memref<!tpu.dma_semaphore, #tpu.memory_space<semaphore_mem>>) src(%arg7 : memref<16x2048xf32, #tpu.memory_space<vmem>>) dst(%dma_wait3A_712 : memref<16x2048xf32, #tpu.memory_space<hbm>>)
        %add3A_713 = arith.constant 2 : i32
        %add3A_714 = arith.addi %add3A_207, %add3A_713 : i32
        %mul3A_715 = arith.constant 32 : i32
        %mul3A_716 = arith.muli %add3A_714, %mul3A_715 : i32
        %dma_start3A_717 = tpu.memref_slice %arg5[%mul3A_716] : memref<512xi32, #tpu.memory_space<vmem>> -> memref<16xi32, #tpu.memory_space<vmem>>
        %dma_start3A_718 = arith.constant 0 : i32
        %dma_start3A_719 = arith.constant 0 : i32
        %dma_start3A_720 = tpu.memref_slice %arg2[%dma_start3A_718, %dma_start3A_719] : memref<16384x2048xf32, #tpu.memory_space<hbm>> -> memref<16384x2048xf32, #tpu.memory_space<hbm>>
        tpu.enqueue_indirect_dma source(%dma_start3A_720 : memref<16384x2048xf32, #tpu.memory_space<hbm>>) target(%arg7 : memref<16x2048xf32, #tpu.memory_space<vmem>>) offsets(%dma_start3A_717 : memref<16xi32, #tpu.memory_space<vmem>>) semaphore(%arg10 : memref<!tpu.dma_semaphore, #tpu.memory_space<semaphore_mem>>)
      } else {
      }
      %scan3A_515 = arith.constant 0 : i32
      scf.yield %scan3A_515 : i32
    }
    %scan3A_164 = arith.constant 8 : i32
    %add3A_165 = arith.constant 448 : i32
    %add3A_166 = arith.addi %mul3A_2, %add3A_165 : i32
    %dma_wait3A = arith.constant 0 : i32
    %dma_wait3A_167 = tpu.memref_slice %arg4[%add3A_166, %dma_wait3A] : memref<16384x2048xf32, #tpu.memory_space<hbm>> -> memref<16x2048xf32, #tpu.memory_space<hbm>>
    %dma_wait3A_168 = arith.constant 0 : i32
    %dma_wait3A_169 = tpu.memref_slice %arg4[%add3A_166, %dma_wait3A_168] : memref<16384x2048xf32, #tpu.memory_space<hbm>> -> memref<16x2048xf32, #tpu.memory_space<hbm>>
    tpu.wait_dma2 semaphore(%arg11 : memref<!tpu.dma_semaphore, #tpu.memory_space<semaphore_mem>>) src(%arg6 : memref<16x2048xf32, #tpu.memory_space<vmem>>) dst(%dma_wait3A_169 : memref<16x2048xf32, #tpu.memory_space<hbm>>)
    %add3A_170 = arith.constant 480 : i32
    %add3A_171 = arith.addi %mul3A_2, %add3A_170 : i32
    %dma_wait3A_172 = arith.constant 0 : i32
    %dma_wait3A_173 = tpu.memref_slice %arg4[%add3A_171, %dma_wait3A_172] : memref<16384x2048xf32, #tpu.memory_space<hbm>> -> memref<16x2048xf32, #tpu.memory_space<hbm>>
    %dma_wait3A_174 = arith.constant 0 : i32
    %dma_wait3A_175 = tpu.memref_slice %arg4[%add3A_171, %dma_wait3A_174] : memref<16384x2048xf32, #tpu.memory_space<hbm>> -> memref<16x2048xf32, #tpu.memory_space<hbm>>
    tpu.wait_dma2 semaphore(%arg12 : memref<!tpu.dma_semaphore, #tpu.memory_space<semaphore_mem>>) src(%arg7 : memref<16x2048xf32, #tpu.memory_space<vmem>>) dst(%dma_wait3A_175 : memref<16x2048xf32, #tpu.memory_space<hbm>>)
    %add3A_176 = arith.constant 480 : i32
    %add3A_177 = arith.addi %mul3A_2, %add3A_176 : i32
    %add3A_178 = arith.constant 16 : i32
    %add3A_179 = arith.addi %add3A_177, %add3A_178 : i32
    %add3A_180 = arith.constant 0 : i32
    %add3A_181 = arith.addi %add3A_179, %add3A_180 : i32
    %dma_wait3A_182 = arith.constant 0 : i32
    %dma_wait3A_183 = arith.constant 0 : i32
    %dma_wait3A_184 = tpu.memref_slice %arg4[%add3A_181, %dma_wait3A_183] : memref<16384x2048xf32, #tpu.memory_space<hbm>> -> memref<8x2048xf32, #tpu.memory_space<hbm>>
    %dma_wait3A_185 = arith.constant 0 : i32
    %dma_wait3A_186 = arith.constant 0 : i32
    %dma_wait3A_187 = tpu.memref_slice %arg8[%arg1, %dma_wait3A_182, %dma_wait3A_185, %dma_wait3A_186] : memref<16x2x8x2048xf32, #tpu.memory_space<vmem_shared>> -> memref<1x1x8x2048xf32, #tpu.memory_space<vmem_shared>>
    %dma_wait3A_188 = tpu.memref_squeeze %dma_wait3A_187 : memref<1x1x8x2048xf32, #tpu.memory_space<vmem_shared>> -> memref<8x2048xf32, #tpu.memory_space<vmem_shared>>
    tpu.wait_dma2 semaphore(%arg15 : memref<!tpu.dma_semaphore, #tpu.memory_space<semaphore_mem>>) src(%dma_wait3A_188 : memref<8x2048xf32, #tpu.memory_space<vmem_shared>>) dst(%dma_wait3A_184 : memref<8x2048xf32, #tpu.memory_space<hbm>>)
    %add3A_189 = arith.constant 480 : i32
    %add3A_190 = arith.addi %mul3A_2, %add3A_189 : i32
    %add3A_191 = arith.constant 16 : i32
    %add3A_192 = arith.addi %add3A_190, %add3A_191 : i32
    %add3A_193 = arith.constant 8 : i32
    %add3A_194 = arith.addi %add3A_192, %add3A_193 : i32
    %dma_wait3A_195 = arith.constant 1 : i32
    %dma_wait3A_196 = arith.constant 0 : i32
    %dma_wait3A_197 = tpu.memref_slice %arg4[%add3A_194, %dma_wait3A_196] : memref<16384x2048xf32, #tpu.memory_space<hbm>> -> memref<8x2048xf32, #tpu.memory_space<hbm>>
    %dma_wait3A_198 = arith.constant 0 : i32
    %dma_wait3A_199 = arith.constant 0 : i32
    %dma_wait3A_200 = tpu.memref_slice %arg8[%arg1, %dma_wait3A_195, %dma_wait3A_198, %dma_wait3A_199] : memref<16x2x8x2048xf32, #tpu.memory_space<vmem_shared>> -> memref<1x1x8x2048xf32, #tpu.memory_space<vmem_shared>>
    %dma_wait3A_201 = tpu.memref_squeeze %dma_wait3A_200 : memref<1x1x8x2048xf32, #tpu.memory_space<vmem_shared>> -> memref<8x2048xf32, #tpu.memory_space<vmem_shared>>
    tpu.wait_dma2 semaphore(%arg16 : memref<!tpu.dma_semaphore, #tpu.memory_space<semaphore_mem>>) src(%dma_wait3A_201 : memref<8x2048xf32, #tpu.memory_space<vmem_shared>>) dst(%dma_wait3A_197 : memref<8x2048xf32, #tpu.memory_space<hbm>>)
    return
  }
}

</mosaic_0001>

<sc_bundles>
// kernel: kernel.3.cloned.1.call-start
scs
__scs_entry_jumppad:
0x0: {  	(pc) =	sbr.rel $0x88, $3  }
0x1: {  	(tag) =	ssettag $0x0;
	lr =	simm.s32 $0x1  }
0x2: {  	[smem:$0x3FA0] =	sst lr;
	_ =	strace $0xD0000000  }
0x3: {  	_ = 	snop  }
0x4: {  	_ = 	snop  }
0x5: {  	_ = 	snop  }
0x6: {  	_ = 	snop  }
0x7: {  	_ = 	snop  }
__scs_overlays_trampoline_lowered:
0x8: {  	[smem:$0x3FAF] =	sst s0  }
0x9: {  	[smem:$0x3FB0] =	sst s1  }
0xa: {  	[smem:$0x3FB1] =	sst s2  }
0xb: {  	[smem:$0x3FB2] =	sst s3  }
0xc: {  	[smem:$0x3FB3] =	sst s4  }
0xd: {  	[smem:$0x3FB4] =	sst s5  }
0xe: {  	[smem:$0x3FB5] =	sst s6  }
0xf: {  	[smem:$0x3FB6] =	sst s7  }
0x10: {  	[smem:$0x3FB7] =	sst s8  }
0x11: {  	[smem:$0x3FB8] =	sst s9;
	s0 =	simm.s32 @!p0 $0x0  }
0x12: {  	s1 =	sld [smem:$0x3F9E];
	s0 =	simm.s32 @p0 $0x1  }
0x13: {  	[smem:$0x3FB9] =	sst s0;
	s0 =	simm.s32 @!p1 $0x0  }
0x14: {  	s2 =	sld [smem:$0x3F9D];
	s0 =	simm.s32 @p1 $0x1  }
0x15: {  	[smem:$0x3FBA] =	sst s0;
	s0 =	simm.s32 @!p2 $0x0  }
0x16: {  	s3 =	sld [smem:$0x3FDB];
	s0 =	simm.s32 @p2 $0x1  }
0x17: {  	s4 =	simm.s32 $0x1BF5;
	[smem:$0x3FBC] =	sst s0  }
0x18: {  	s0 =	sld [smem:$0x3F9F];
	_ =	swait.ge [sflag:s4], $0x0  }
0x19: {  	s7 =	sld [smem:$0x3FA0]  }
0x1a: {  	s8 =	sadd.s32 $0xFFFFE003, lr  }
0x1b: {  	s9 =	sadd.s32 $0xFFFFFEF7, lr;
	s5 =	simm.s32 $0xFFFFFFFF;
	p2 =	slt.u32 s8, $0xFFFFF086  }
0x1c: {  	p1 =	slt.u32 s9, $0xF7A;
	s5 =	simm.s32 @!p2 $0x0  }
0x1d: {  	s5 =	simm.s32 @p1 $0x1;
	p0 =	seq.s32 s7, s2  }
0x1e: {  	s7 =	smul.u32 @!p0 $0xF7A, s2;
	p2 =	seq.s32 @!p0 s5, $0x0  }
0x1f: {  	s9 =	smul.u32 $0xF7A, s1;
	s8 =	simm.s32 @!p0 $0x1BF5;
	p2 =	por !p2, p0  }
0x20: {  	[sflag:s8] =	ssyncset.s32 @!p0 $0xFFFFF086;
	s6 =	sadd.s32 @!p0 s3, s7;
	s7 =	simm.s32 @!p0 $0x108  }
0x21: {  	s3 =	sadd.s32 s3, s9;
	s6 =	sadd.s32 @!p0 $0x88, s6;
	s7 =	simm.s32 @p2 $0x1082  }
0x22: {  	[simem:s7], [sflag:s8] =	dma.local @!p0 [hbm:s6], $0xF7A  }
0x23: {  	s9 =	sor.u32 $0xD0000000, s2;
	s6 =	simm.s32 $0x108;
	_ =	swait.ge @!p0 [sflag:s8], $0x0  }
0x24: {  	s3 =	sadd.s32 $0x88, s3;
	s6 =	simm.s32 @!p1 $0x1082;
	[sflag:s4] =	ssyncset.s32 $0xFFFFF086  }
0x25: {  	[simem:s6], [sflag:s4] =	dma.local [hbm:s3], $0xF7A  }
0x26: {  	[smem:$0x3FA0] =	sst s1;
	(tag) =	ssettag s2;
	_ =	strace s9  }
0x27: {  	s1 =	sld [smem:$0x3FB0]  }
0x28: {  	s2 =	sld [smem:$0x3FB1]  }
0x29: {  	s4 =	sld [smem:$0x3FB3]  }
0x2a: {  	p0 =	seq.s32 s5, $0x0;
	s5 =	sld [smem:$0x3FB4]  }
0x2b: {  	s6 =	sld [smem:$0x3FB5]  }
0x2c: {  	s7 =	sld [smem:$0x3FB6]  }
0x2d: {  	s3 =	simm.s32 $0x108;
	s8 =	sld [smem:$0x3FB7]  }
0x2e: {  	s3 =	simm.s32 @!p0 $0x1082;
	s9 =	sld [smem:$0x3FB8]  }
0x2f: {  	lr =	sadd.s32 s0, s3;
	s0 =	sld [smem:$0x3FAF]  }
0x30: {  	s3 =	sld [smem:$0x3FB2]  }
0x31: {  	[smem:$0x3FBB] =	sst s10  }
0x32: {  	s10 =	sld [smem:$0x3FB9];
	_ =	sdelay $0x3  }
0x33: {  	p0 =	seq.s32 s10, $0x1;
	s10 =	sld [smem:$0x3FBB];
	_ =	sdelay $0x3  }
0x34: {  	[smem:$0x3FBB] =	sst s10  }
0x35: {  	s10 =	sld [smem:$0x3FBA];
	_ =	sdelay $0x3  }
0x36: {  	p1 =	seq.s32 s10, $0x1;
	s10 =	sld [smem:$0x3FBB];
	_ =	sdelay $0x3  }
0x37: {  	[smem:$0x3FBB] =	sst s10  }
0x38: {  	s10 =	sld [smem:$0x3FBC]  }
0x39: {  	_ = 	snop;
	(pc) =	sbr.ind lr, $3  }
0x3a: {  	_ = 	snop  }
0x3b: {  	_ = 	snop  }
0x3c: {  	p2 =	seq.s32 s10, $0x1;
	s10 =	sld [smem:$0x3FBB]  }
0x3d: {  	_ =	shalt  }
0x3e: {  	_ =	shalt  }
0x3f: {  	_ =	shalt  }
0x40: {  	_ =	shalt  }
0x41: {  	_ =	shalt  }
0x42: {  	_ =	shalt  }
0x43: {  	_ =	shalt  }
0x44: {  	_ =	shalt  }
0x45: {  	_ =	shalt  }
0x46: {  	_ =	shalt  }
0x47: {  	_ =	shalt  }
0x48: {  	_ =	shalt  }
0x49: {  	_ =	shalt  }
0x4a: {  	_ =	shalt  }
0x4b: {  	_ =	shalt  }
0x4c: {  	_ =	shalt  }
0x4d: {  	_ =	shalt  }
0x4e: {  	_ =	shalt  }
0x4f: {  	_ =	shalt  }
0x50: {  	_ =	shalt  }
0x51: {  	_ =	shalt  }
0x52: {  	_ =	shalt  }
0x53: {  	_ =	shalt  }
0x54: {  	_ =	shalt  }
0x55: {  	_ =	shalt  }
0x56: {  	_ =	shalt  }
0x57: {  	_ =	shalt  }
0x58: {  	_ =	shalt  }
0x59: {  	_ =	shalt  }
0x5a: {  	_ =	shalt  }
0x5b: {  	_ =	shalt  }
0x5c: {  	_ =	shalt  }
0x5d: {  	_ =	shalt  }
0x5e: {  	_ =	shalt  }
0x5f: {  	_ =	shalt  }
0x60: {  	_ =	shalt  }
0x61: {  	_ =	shalt  }
0x62: {  	_ =	shalt  }
0x63: {  	_ =	shalt  }
0x64: {  	_ =	shalt  }
0x65: {  	_ =	shalt  }
0x66: {  	_ =	shalt  }
0x67: {  	_ =	shalt  }
0x68: {  	_ =	shalt  }
0x69: {  	_ =	shalt  }
0x6a: {  	_ =	shalt  }
0x6b: {  	_ =	shalt  }
0x6c: {  	_ =	shalt  }
0x6d: {  	_ =	shalt  }
0x6e: {  	_ =	shalt  }
0x6f: {  	_ =	shalt  }
0x70: {  	_ =	shalt  }
0x71: {  	_ =	shalt  }
0x72: {  	_ =	shalt  }
0x73: {  	_ =	shalt  }
0x74: {  	_ =	shalt  }
0x75: {  	_ =	shalt  }
0x76: {  	_ =	shalt  }
0x77: {  	_ =	shalt  }
0x78: {  	_ =	shalt  }
0x79: {  	_ =	shalt  }
0x7a: {  	_ =	shalt  }
0x7b: {  	_ =	shalt  }
0x7c: {  	_ =	shalt  }
0x7d: {  	_ =	shalt  }
0x7e: {  	_ =	shalt  }
0x7f: {  	_ =	shalt  }
0x80: {  	_ =	shalt  }
0x81: {  	_ =	shalt  }
0x82: {  	_ =	shalt  }
0x83: {  	_ =	shalt  }
0x84: {  	_ =	shalt  }
0x85: {  	_ =	shalt  }
0x86: {  	_ =	shalt  }
0x87: {  	_ =	shalt  }
.Lfunc_end0:
.L_simem_size_0:
called_computation_lowered:
.L_overlay_start_0:
0x88: {  	s2 =	sld [smem:$0x3FD9]  }
0x89: {  	s3 =	sld [smem:$0x3FFE];
	_ =	sdelay $0x1  }
0x8a: {  	s1 =	srdreg.scid  }
0x8b: {  	s0 =	sand.u32 $0x1, s1  }
0x8c: {  	s17 =	sshll.u32 s0, $0xA;
	s2 =	sadd.s32 s3, s2  }
0x8d: {  	s2 =	sadd.s32 s2, s17  }
0x8e: {  	[smem:$0x3FC7] =	sst s2  }
0x8f: {  	_ = 	snop  }
0x90: {  	s2 =	sld [smem:$0x3FC9]  }
0x91: {  	s18 =	sld [smem:$0x3FD0];
	(tm) =	ssettm $0x1  }
0x92: {  	s4 =	sld [smem:$0x3FFB];
	_ =	sdelay $0x3  }
0x93: {  	_ =	strace s4  }
0x94: {  	s4 =	sld [smem:$0x3FFC];
	_ =	sdelay $0x3  }
0x95: {  	_ =	strace s4  }
0x96: {  	s4 =	sld [smem:$0x3FFD];
	_ =	sdelay $0x3  }
0x97: {  	_ =	strace s4  }
0x98: {  	_ =	strace $0x8FFFFFFF  }
0x99: {  	s19 =	sld [smem:$0x3FDB];
	_ =	sdelay $0x1  }
0x9a: {  	s5 =	simm.s32 $_scs_section_size  }
0x9b: {  	s6 =	simm.s32 $_size__tile_overlayer_lowered;
	s7 =	simm.s32 $_tile_overlayer_lowered  }
0x9c: {  	s22 =	simm.s32 $0x1BFF;
	s21 =	sshll.u32 s7, $0x1;
	s4 =	sadd.s32 s5, s19  }
0x9d: {  	s8 =	simm.s32 $0x0;
	s20 =	sshll.u32 s6, $0x1;
	s6 =	sadd.s32 s21, s4  }
0x9e: {  	[timem:s8], [sflag:s22] =	dma.local [hbm:s6], s20  }
0x9f: {  	_ =	swait.ge [sflag:s22], s20  }
0xa0: {  	s5 =	ssub.s32 $0x0, s20;
	[sflag:s22] =	ssyncset.done $0x0  }
0xa1: {  	[sflag:s22] =	ssyncadd.s32 s5;
	_ =	sdelay $0x1  }
0xa2: {  	s23 =	simm.s32 $0x1B8B  }
0xa3: {  	_ =	swait.ge [sflag:s23], $0x1  }
0xa4: {  	[sflag:s23] =	ssyncset.done $0x0  }
0xa5: {  	s25 =	simm.s32 $0x1B8E;
	s24 =	sld [smem:$0x3FFE];
	[sflag:s23] =	ssyncadd.s32 $0xFFFFFFFF  }
0xa6: {  	s26 =	simm.s32 $execute0_lowered;
	[smem:$0x3FD2] =	sst s25  }
0xa7: {  	s6 =	sshll.u32 s26, $0x1;
	_ =	strace $0x80000046;
	[dreg:$0x1] =	wrdreg $0xFFFFFFFF  }
0xa8: {  	s28 =	simm.s32 $_size_execute0_lowered;
	s4 =	sadd.s32 s4, s6;
	[dreg:$0x0] =	wrdreg $0x0  }
0xa9: {  	s6 =	sshll.u32 s28, $0x1;
	[dreg:$0x2] =	wrdreg s4  }
0xaa: {  	[dreg:$0x3] =	wrdreg s6  }
0xab: {  	[dreg:$0x4] =	wrdreg $0xC0  }
0xac: {  	_ =	task [dreg:s8], $0x5FFFF  }
0xad: {  	[dreg:$0x1] =	wrdreg $0xFFFFFFFF  }
0xae: {  	[dreg:$0x0] =	wrdreg $0x60  }
0xaf: {  	[dreg:$0x2] =	wrdreg s2  }
0xb0: {  	[dreg:$0x3] =	wrdreg s24  }
0xb1: {  	[dreg:$0x4] =	wrdreg s18  }
0xb2: {  	[dreg:$0x5] =	wrdreg $0x102000  }
0xb3: {  	[dreg:$0x6] =	wrdreg $0x9  }
0xb4: {  	_ =	task.clear_ibuf [dreg:s8], $0x7FFFF;
	_ =	strace $0x90000046  }
0xb5: {  	s29 =	simm.s32 $0x9;
	_ =	strace $0x80000048  }
0xb6: {  	_ =	swait.ge [sflag:s29], $0x1  }
0xb7: {  	[sflag:s29] =	ssyncadd.s32 $0xFFFFFFFF  }
0xb8: {  	_ =	strace $0x90000048  }
0xb9: {  	_ =	sfence  }
0xba: {  	s30 =	sld [smem:$0x0];
	_ =	sdelay $0x2  }
0xbb: {  	s31 =	sshll.u32 s1, $0xD;
	s1 =	sshrl.u32 s1, $0x2  }
0xbc: {  	s3 =	sand.u32 $0x4000, s31;
	s1 =	sadd.s32 s1, s30  }
0xbd: {  	s0 =	sor.u32 s3, s0;
	s1 =	sshll.u32 s1, $0x11  }
0xbe: {  	s0 =	sor.u32 s1, s0  }
0xbf: {  	s0 =	sadd.s32 $0x8F2B, s0  }
0xc0: {  	[sflag:s0] =	ssyncadd.remote.s32 $0x1  }
0xc1: {  	_ =	sfence.sel $0xFFFF  }
0xc2: {  	[dreg:$0x0] =	wrdreg $0xFFFFFFFF;
	(pc) =	sbr.abs _section_cstart, $3  }
0xc3: {  	[dreg:$0x1] =	wrdreg $0xFFFFFFFF  }
0xc4: {  	_ =	task.clear_ibuf [dreg:s8], $0x2FFFF;
	_ =	strace $0x9FFFFFFF  }
0xc5: {  	(tm) =	ssettm $0x7FFFFFFF  }
tec
execute0_lowered:
.L_overlay_start_1:
0x0: {  	(tag) =	ssettag $0x1  }
0x1: {  	s1 =	rddreg [dreg:$0x0]  }
0x2: {  	s0 =	rddreg [dreg:$0x1]  }
0x3: {  	s2 =	srdreg.scid;
	s4 =	rddreg [dreg:$0x2]  }
0x4: {  	s14 =	stileid.u32;
	s12 =	rddreg [dreg:$0x3];
	s31 =	simm.s32 $0x6  }
0x5: {  	s2 =	sand.u32 $0x1, s2;
	s3 =	sshll.u32 s14, $0xA;
	s7 =	sadd.s32 $0x300, s1  }
0x6: {  	s8 =	sadd.s32 $0x400, s1;
	s29 =	sshll.u32 s14, $0xF;
	s5 =	sshll.u32 s2, $0x9  }
0x7: {  	s12 =	sadd.s32 s29, s12;
	s5 =	sor.u32 s5, s3;
	s3 =	simm.s32 $0x0  }
0x8: {  	s9 =	sadd.s32 $0x500, s1;
	s30 =	sadd.s32 $0x100, s12;
	[smem:$0x7FF] =	sst s3  }
0x9: {  	s15 =	sadd.s32 $0x180, s12;
	_ =	strace $0x80000047;
	[dreg:$0x8] =	wrdreg s30  }
0xa: {  	s10 =	sadd.s32 $0x600, s1;
	s16 =	sadd.s32 $0x200, s12;
	[dreg:$0x9] =	wrdreg s15  }
0xb: {  	s11 =	sadd.s32 $0x700, s1;
	s17 =	sadd.s32 $0x280, s12;
	[dreg:$0xa] =	wrdreg s16  }
0xc: {  	s21 =	sshll.u32 s14, $0x12;
	s18 =	sadd.s32 $0x300, s12;
	[dreg:$0xb] =	wrdreg s17  }
0xd: {  	s14 =	simm.s32 $0x7;
	s19 =	sadd.s32 $0x380, s12;
	[dreg:$0xc] =	wrdreg s18  }
0xe: {  	s6 =	ssub.s32 $0x2, s2;
	s20 =	sadd.s32 $0x4000, s12;
	[dreg:$0xd] =	wrdreg s19  }
0xf: {  	s2 =	sshll.u32 s2, $0x11;
	s22 =	sadd.s32 $0x4080, s12;
	[dreg:$0xe] =	wrdreg s20  }
0x10: {  	s28 =	sshrl.u32 s6, $0x1;
	s23 =	sadd.s32 $0x4100, s12;
	[dreg:$0xf] =	wrdreg s22  }
0x11: {  	s24 =	sadd.s32 $0x4180, s12;
	s26 =	sadd.s32 $0x4200, s12;
	[dreg:$0x10] =	wrdreg s23  }
0x12: {  	s29 =	sadd.s32 $0x4300, s12;
	s5 =	sshrl.u32 s5, $0x3;
	[dreg:$0x12] =	wrdreg s24  }
0x13: {  	s13 =	ssub.s32 s6, s28;
	s28 =	sadd.s32 $0x4280, s12;
	[dreg:$0x14] =	wrdreg s26  }
0x14: {  	s6 =	sadd.s32 $0x200, s1;
	s0 =	sadd.s32 s5, s0;
	[dreg:$0x15] =	wrdreg s28  }
0x15: {  	s5 =	sadd.s32 $0x100, s1;
	s25 =	smax.u32 s13, $0x1;
	[dreg:$0x16] =	wrdreg s29  }
0x16: {  	[dreg:$0x6] =	wrdreg s12;
	s30 =	sadd.s32 $0x4380, s12;
	s23 =	simm.s32 $0x8200  }
.Ltmp0:
0x17: {  	s0 =	sadd.s32 $0x400, s0;
	[dreg:$0x13] =	wrdreg s25;
	(pc) =	sbr.rel .LBB2_1-.Ltmp0, $4  }
0x18: {  	s15 =	simm.s32 $0x8;
	[dreg:$0x5] =	wrdreg s0;
	s0 =	sadd.s32 $0x80, s12  }
0x19: {  	v2 =	vlaneseq.u32;
	s13 =	simm.s32 $0x0;
	[dreg:$0x7] =	wrdreg s0;
	s0 =	sadd.s32 s21, s4  }
0x1a: {  	vm0 =	vmmov $0xffff;
	v1 =	vshrl.u32 v2, $0x3;
	[dreg:$0x17] =	wrdreg s30;
	s12 =	simm.s32 $0x5;
	s0 =	sadd.s32 s2, s0  }
0x1b: {  	v0 =	vand.u32 $0x7, v2;
	v2 =	vor.u32 $0x8, v2;
	v1 =	vmul.u32 $0x8, v1;
	s4 =	simm.s32 $0x80;
	[dreg:$0x11] =	wrdreg s0;
	s0 =	simm.s32 $0x1  }
.LBB2_4:
0x1c: {  	s2 =	simm.s32 $0x3  }
0x1d: {  	_ =	swait.ge [sflag:s2], $0x8000  }
0x1e: {  	[sflag:s2] =	ssyncset.done $0x0  }
0x1f: {  	s29 =	simm.s32 $0x4;
	[sflag:s2] =	ssyncadd.s32 $0xFFFF8000  }
0x20: {  	_ =	swait.ge [sflag:s29], $0x8000  }
0x21: {  	[sflag:s29] =	ssyncset.done $0x0  }
0x22: {  	[sflag:s29] =	ssyncadd.s32 $0xFFFF8000  }
0x23: {  	_ =	swait.ge [sflag:s14], $0x800  }
0x24: {  	[sflag:s14] =	ssyncset.done $0x0  }
0x25: {  	[sflag:s14] =	ssyncadd.s32 $0xFFFFF800  }
0x26: {  	_ =	swait.ge [sflag:s15], $0x800  }
0x27: {  	s13 =	rddreg [dreg:$0x18]  }
0x28: {  	s30 =	rddreg [dreg:$0x13];
	s13 =	sadd.s32 $0x1, s13  }
0x29: {  	p0 =	sne.s32 s13, s30  }
.Ltmp1:
0x2a: {  	_ = 	snop;
	(pc) =	sbr.rel @!p0 .LBB2_5-.Ltmp1, $3  }
0x2b: {  	_ =	sdelay $0x1  }
0x2c: {  	[sflag:s15] =	ssyncset.done $0x0  }
0x2d: {  	[sflag:s15] =	ssyncadd.s32 $0xFFFFF800  }
.LBB2_1:
0x2e: {  	[dreg:$0x18] =	wrdreg s13  }
0x2f: {  	s2 =	rddreg [dreg:$0x5];
	s26 =	simm.s32 $0x9  }
0x30: {  	[tilespmem:s3], [sflag:$0x9] =	stream.linear.gather [hbm4b:s2+s3], $0x200, $0x38;
	[tilespmem:$0x18200] =	vst v63  }
0x31: {  	_ =	swait.ge [sflag:s26], $0x200  }
0x32: {  	[sflag:s26] =	ssyncset.done $0x0  }
0x33: {  	[sflag:s26] =	ssyncadd.s32 $0xFFFFFE00  }
0x34: {  	v3 =	vld [tilespmem:$0x0];
	_ =	sdelay $0x4  }
0x35: {  	v4 =	vshll.u32 v3, $0x4  }
0x36: {  	v3 =	vand.u32 $0x7, v3;
	v4 =	vand.u32 $0xFFFFFF80, v4  }
0x37: {  	v3 =	vor.u32 v3, v4  }
0x38: {  	v4 =	vperm.xlane v3, v0;
	_ =	sdelay $0x1  }
0x39: {  	v4 =	vadd.s32 v1, v4;
	_ =	sdelay $0x3  }
0x3a: {  	s28 =	simm.s32 $0x200  }
0x3b: {  	[tilespmem:s28], [sflag:$0x1] =	stream.indirect_vreg.gather [hbm4b:s1+s3], $0x80, v4, vm0, $0xb8;
	[tilespmem:$0x18200] =	vst v63  }
0x3c: {  	s13 =	simm.s32 $0xA00  }
0x3d: {  	[tilespmem:s13], [sflag:$0x1] =	stream.indirect_vreg.gather [hbm4b:s5+s3], $0x80, v4, vm0, $0xb8;
	[tilespmem:$0x18200] =	vst v63  }
0x3e: {  	s16 =	simm.s32 $0x1200  }
0x3f: {  	[tilespmem:s16], [sflag:$0x1] =	stream.indirect_vreg.gather [hbm4b:s6+s3], $0x80, v4, vm0, $0xb8;
	[tilespmem:$0x18200] =	vst v63  }
0x40: {  	s17 =	simm.s32 $0x1A00  }
0x41: {  	[tilespmem:s17], [sflag:$0x1] =	stream.indirect_vreg.gather [hbm4b:s7+s3], $0x80, v4, vm0, $0xb8;
	[tilespmem:$0x18200] =	vst v63  }
0x42: {  	s18 =	simm.s32 $0x2200  }
0x43: {  	[tilespmem:s18], [sflag:$0x1] =	stream.indirect_vreg.gather [hbm4b:s8+s3], $0x80, v4, vm0, $0xb8;
	[tilespmem:$0x18200] =	vst v63  }
0x44: {  	s19 =	simm.s32 $0x2A00;
	v3 =	vperm.xlane v3, v2  }
0x45: {  	[tilespmem:s19], [sflag:$0x1] =	stream.indirect_vreg.gather [hbm4b:s9+s3], $0x80, v4, vm0, $0xb8;
	[tilespmem:$0x18200] =	vst v63  }
0x46: {  	s20 =	simm.s32 $0x3200;
	v3 =	vadd.s32 v1, v3  }
0x47: {  	[tilespmem:s20], [sflag:$0x1] =	stream.indirect_vreg.gather [hbm4b:s10+s3], $0x80, v4, vm0, $0xb8;
	[tilespmem:$0x18200] =	vst v63  }
0x48: {  	s21 =	simm.s32 $0x3A00  }
0x49: {  	[tilespmem:s21], [sflag:$0x1] =	stream.indirect_vreg.gather [hbm4b:s11+s3], $0x80, v4, vm0, $0xb8;
	[tilespmem:$0x18200] =	vst v63  }
0x4a: {  	s22 =	simm.s32 $0x4200  }
0x4b: {  	[tilespmem:s22], [sflag:$0x1] =	stream.indirect_vreg.gather [hbm4b:s1+s3], $0x80, v3, vm0, $0xb8;
	[tilespmem:$0x18200] =	vst v63  }
0x4c: {  	s24 =	simm.s32 $0x4A00  }
0x4d: {  	[tilespmem:s24], [sflag:$0x1] =	stream.indirect_vreg.gather [hbm4b:s5+s3], $0x80, v3, vm0, $0xb8;
	[tilespmem:$0x18200] =	vst v63  }
0x4e: {  	s25 =	simm.s32 $0x5200  }
0x4f: {  	[tilespmem:s25], [sflag:$0x1] =	stream.indirect_vreg.gather [hbm4b:s6+s3], $0x80, v3, vm0, $0xb8;
	[tilespmem:$0x18200] =	vst v63  }
0x50: {  	s26 =	simm.s32 $0x5A00  }
0x51: {  	[tilespmem:s26], [sflag:$0x1] =	stream.indirect_vreg.gather [hbm4b:s7+s3], $0x80, v3, vm0, $0xb8;
	[tilespmem:$0x18200] =	vst v63  }
0x52: {  	s28 =	simm.s32 $0x6200  }
0x53: {  	[tilespmem:s28], [sflag:$0x1] =	stream.indirect_vreg.gather [hbm4b:s8+s3], $0x80, v3, vm0, $0xb8;
	[tilespmem:$0x18200] =	vst v63  }
0x54: {  	s13 =	simm.s32 $0x6A00  }
0x55: {  	[tilespmem:s13], [sflag:$0x1] =	stream.indirect_vreg.gather [hbm4b:s9+s3], $0x80, v3, vm0, $0xb8;
	[tilespmem:$0x18200] =	vst v63  }
0x56: {  	s16 =	simm.s32 $0x7200  }
0x57: {  	[tilespmem:s16], [sflag:$0x1] =	stream.indirect_vreg.gather [hbm4b:s10+s3], $0x80, v3, vm0, $0xb8;
	[tilespmem:$0x18200] =	vst v63  }
0x58: {  	s17 =	simm.s32 $0x7A00  }
0x59: {  	[tilespmem:s17], [sflag:$0x1] =	stream.indirect_vreg.gather [hbm4b:s11+s3], $0x80, v3, vm0, $0xb8;
	[tilespmem:$0x18200] =	vst v63  }
0x5a: {  	v3 =	vld [tilespmem:$0x10];
	_ =	sdelay $0x4  }
0x5b: {  	(v2sf) =	vpush v3, $0x0;
	_ =	sdelay $0xe  }
0x5c: {  	s18 =	spop (v2sf)  }
0x5d: {  	s19 =	sshll.u32 s18, $0xB;
	s2 =	sshll.u32 s18, $0x7  }
0x5e: {  	s13 =	sand.u32 $0xFFFFC000, s19;
	s2 =	sand.u32 $0x380, s2  }
0x5f: {  	s20 =	stileid.u32;
	s2 =	sor.u32 s2, s13  }
0x60: {  	s16 =	rddreg [dreg:$0x6];
	s17 =	sshll.u32 s20, $0x6;
	s2 =	sshrl.u32 s2, $0x3  }
0x61: {  	s19 =	sshrl.u32 s16, $0x3;
	s21 =	sadd.s32 s1, s2;
	s2 =	sor.u32 $0x1C05, s17  }
0x62: {  	[spmem:s19@s4], [sflag:s2] =	dma.strided [hbm:s21@s4], $0x100, s0, $0x10   }
0x63: {  	(v2sf) =	vpush v3, $0x1;
	_ =	sdelay $0xe  }
0x64: {  	s13 =	spop (v2sf)  }
0x65: {  	s22 =	sshll.u32 s13, $0xB;
	s13 =	sshll.u32 s13, $0x7  }
0x66: {  	s16 =	sand.u32 $0xFFFFC000, s22;
	s13 =	sand.u32 $0x380, s13  }
0x67: {  	s24 =	rddreg [dreg:$0x7];
	s13 =	sor.u32 s13, s16  }
0x68: {  	s16 =	sshrl.u32 s24, $0x3;
	s13 =	sshrl.u32 s13, $0x3  }
0x69: {  	[dreg:$0x1a] =	wrdreg s16;
	s13 =	sadd.s32 s1, s13  }
0x6a: {  	[spmem:s16@s4], [sflag:s2] =	dma.strided [hbm:s13@s4], $0x100, s0, $0x10   }
0x6b: {  	(v2sf) =	vpush v3, $0x2;
	_ =	sdelay $0xe  }
0x6c: {  	s13 =	spop (v2sf)  }
0x6d: {  	s25 =	sshll.u32 s13, $0xB;
	s13 =	sshll.u32 s13, $0x7  }
0x6e: {  	s16 =	sand.u32 $0xFFFFC000, s25;
	s13 =	sand.u32 $0x380, s13  }
0x6f: {  	s26 =	rddreg [dreg:$0x8];
	s13 =	sor.u32 s13, s16  }
0x70: {  	s16 =	sshrl.u32 s26, $0x3;
	s13 =	sshrl.u32 s13, $0x3  }
0x71: {  	[dreg:$0x1b] =	wrdreg s16;
	s13 =	sadd.s32 s1, s13  }
0x72: {  	[spmem:s16@s4], [sflag:s2] =	dma.strided [hbm:s13@s4], $0x100, s0, $0x10   }
0x73: {  	(v2sf) =	vpush v3, $0x3;
	_ =	sdelay $0xe  }
0x74: {  	s13 =	spop (v2sf)  }
0x75: {  	s28 =	sshll.u32 s13, $0xB;
	s13 =	sshll.u32 s13, $0x7  }
0x76: {  	s16 =	sand.u32 $0xFFFFC000, s28;
	s13 =	sand.u32 $0x380, s13  }
0x77: {  	s18 =	rddreg [dreg:$0x9];
	s13 =	sor.u32 s13, s16  }
0x78: {  	s16 =	sshrl.u32 s18, $0x3;
	s13 =	sshrl.u32 s13, $0x3  }
0x79: {  	[dreg:$0x1c] =	wrdreg s16;
	s13 =	sadd.s32 s1, s13  }
0x7a: {  	[spmem:s16@s4], [sflag:s2] =	dma.strided [hbm:s13@s4], $0x100, s0, $0x10   }
0x7b: {  	(v2sf) =	vpush v3, $0x4;
	_ =	sdelay $0xe  }
0x7c: {  	s13 =	spop (v2sf)  }
0x7d: {  	s20 =	sshll.u32 s13, $0xB;
	s13 =	sshll.u32 s13, $0x7  }
0x7e: {  	s16 =	sand.u32 $0xFFFFC000, s20;
	s13 =	sand.u32 $0x380, s13  }
0x7f: {  	s21 =	rddreg [dreg:$0xa];
	s13 =	sor.u32 s13, s16  }
0x80: {  	s16 =	sshrl.u32 s21, $0x3;
	s13 =	sshrl.u32 s13, $0x3  }
0x81: {  	[dreg:$0x1d] =	wrdreg s16;
	s13 =	sadd.s32 s1, s13  }
0x82: {  	[spmem:s16@s4], [sflag:s2] =	dma.strided [hbm:s13@s4], $0x100, s0, $0x10   }
0x83: {  	(v2sf) =	vpush v3, $0x5;
	_ =	sdelay $0xe  }
0x84: {  	s13 =	spop (v2sf)  }
0x85: {  	s22 =	sshll.u32 s13, $0xB;
	s13 =	sshll.u32 s13, $0x7  }
0x86: {  	s16 =	sand.u32 $0xFFFFC000, s22;
	s13 =	sand.u32 $0x380, s13  }
0x87: {  	s24 =	rddreg [dreg:$0xb];
	s13 =	sor.u32 s13, s16  }
0x88: {  	s16 =	sshrl.u32 s24, $0x3;
	s13 =	sshrl.u32 s13, $0x3  }
0x89: {  	[dreg:$0x1e] =	wrdreg s16;
	s13 =	sadd.s32 s1, s13  }
0x8a: {  	[spmem:s16@s4], [sflag:s2] =	dma.strided [hbm:s13@s4], $0x100, s0, $0x10   }
0x8b: {  	(v2sf) =	vpush v3, $0x6;
	_ =	sdelay $0xe  }
0x8c: {  	s13 =	spop (v2sf)  }
0x8d: {  	s25 =	sshll.u32 s13, $0xB;
	s13 =	sshll.u32 s13, $0x7  }
0x8e: {  	s16 =	sand.u32 $0xFFFFC000, s25;
	s13 =	sand.u32 $0x380, s13  }
0x8f: {  	s26 =	rddreg [dreg:$0xc];
	s13 =	sor.u32 s13, s16  }
0x90: {  	s16 =	sshrl.u32 s26, $0x3;
	s13 =	sshrl.u32 s13, $0x3  }
0x91: {  	[dreg:$0x1f] =	wrdreg s16;
	s13 =	sadd.s32 s1, s13  }
0x92: {  	[spmem:s16@s4], [sflag:s2] =	dma.strided [hbm:s13@s4], $0x100, s0, $0x10   }
0x93: {  	(v2sf) =	vpush v3, $0x7;
	_ =	sdelay $0xe  }
0x94: {  	s13 =	spop (v2sf)  }
0x95: {  	s28 =	sshll.u32 s13, $0xB;
	s13 =	sshll.u32 s13, $0x7  }
0x96: {  	s16 =	sand.u32 $0xFFFFC000, s28;
	s13 =	sand.u32 $0x380, s13  }
0x97: {  	s18 =	rddreg [dreg:$0xd];
	s13 =	sor.u32 s13, s16  }
0x98: {  	s16 =	sshrl.u32 s18, $0x3;
	s13 =	sshrl.u32 s13, $0x3  }
0x99: {  	[smem:$0x7FA] =	sst s16;
	s13 =	sadd.s32 s1, s13  }
0x9a: {  	[spmem:s16@s4], [sflag:s2] =	dma.strided [hbm:s13@s4], $0x100, s0, $0x10   }
0x9b: {  	(v2sf) =	vpush v3, $0x8;
	_ =	sdelay $0xe  }
0x9c: {  	s13 =	spop (v2sf)  }
0x9d: {  	s20 =	sshll.u32 s13, $0xB;
	s13 =	sshll.u32 s13, $0x7  }
0x9e: {  	s16 =	sand.u32 $0xFFFFC000, s20;
	s13 =	sand.u32 $0x380, s13  }
0x9f: {  	s13 =	sor.u32 s13, s16  }
0xa0: {  	s29 =	sor.u32 $0x1C06, s17;
	s21 =	rddreg [dreg:$0xe];
	s13 =	sshrl.u32 s13, $0x3  }
0xa1: {  	[dreg:$0x19] =	wrdreg s17;
	s30 =	sshrl.u32 s21, $0x3;
	s13 =	sadd.s32 s1, s13  }
0xa2: {  	[spmem:s30@s4], [sflag:s29] =	dma.strided [hbm:s13@s4], $0x100, s0, $0x10   }
0xa3: {  	(v2sf) =	vpush v3, $0x9;
	_ =	sdelay $0xe  }
0xa4: {  	s13 =	spop (v2sf)  }
0xa5: {  	s22 =	sshll.u32 s13, $0xB;
	s13 =	sshll.u32 s13, $0x7  }
0xa6: {  	s16 =	sand.u32 $0xFFFFC000, s22;
	s13 =	sand.u32 $0x380, s13  }
0xa7: {  	s24 =	rddreg [dreg:$0xf];
	s13 =	sor.u32 s13, s16  }
0xa8: {  	s16 =	sshrl.u32 s24, $0x3;
	s13 =	sshrl.u32 s13, $0x3  }
0xa9: {  	[smem:$0x7FB] =	sst s16;
	s13 =	sadd.s32 s1, s13  }
0xaa: {  	[spmem:s16@s4], [sflag:s29] =	dma.strided [hbm:s13@s4], $0x100, s0, $0x10   }
0xab: {  	(v2sf) =	vpush v3, $0xA;
	_ =	sdelay $0xe  }
0xac: {  	s13 =	spop (v2sf)  }
0xad: {  	s25 =	sshll.u32 s13, $0xB;
	s13 =	sshll.u32 s13, $0x7  }
0xae: {  	s16 =	sand.u32 $0xFFFFC000, s25;
	s13 =	sand.u32 $0x380, s13  }
0xaf: {  	s13 =	sor.u32 s13, s16  }
0xb0: {  	s28 =	rddreg [dreg:$0x10];
	s13 =	sshrl.u32 s13, $0x3  }
0xb1: {  	s26 =	sadd.s32 s1, s13;
	s13 =	sshrl.u32 s28, $0x3  }
0xb2: {  	[smem:$0x7FC] =	sst s13  }
0xb3: {  	[spmem:s13@s4], [sflag:s29] =	dma.strided [hbm:s26@s4], $0x100, s0, $0x10   }
0xb4: {  	(v2sf) =	vpush v3, $0xB;
	_ =	sdelay $0xe  }
0xb5: {  	s16 =	spop (v2sf)  }
0xb6: {  	s13 =	sshll.u32 s16, $0xB;
	s16 =	sshll.u32 s16, $0x7  }
0xb7: {  	s17 =	sand.u32 $0xFFFFC000, s13;
	s16 =	sand.u32 $0x380, s16  }
0xb8: {  	s13 =	rddreg [dreg:$0x12];
	s16 =	sor.u32 s16, s17  }
0xb9: {  	s13 =	sshrl.u32 s13, $0x3;
	s16 =	sshrl.u32 s16, $0x3  }
0xba: {  	[smem:$0x7FD] =	sst s13;
	s18 =	sadd.s32 s1, s16  }
0xbb: {  	[spmem:s13@s4], [sflag:s29] =	dma.strided [hbm:s18@s4], $0x100, s0, $0x10   }
0xbc: {  	(v2sf) =	vpush v3, $0xC;
	_ =	sdelay $0xe  }
0xbd: {  	s17 =	spop (v2sf)  }
0xbe: {  	s18 =	sshll.u32 s17, $0xB;
	s17 =	sshll.u32 s17, $0x7  }
0xbf: {  	s18 =	sand.u32 $0xFFFFC000, s18;
	s17 =	sand.u32 $0x380, s17  }
0xc0: {  	s17 =	sor.u32 s17, s18  }
0xc1: {  	s13 =	rddreg [dreg:$0x14];
	s17 =	sshrl.u32 s17, $0x3  }
0xc2: {  	s20 =	sadd.s32 s1, s17;
	s17 =	sshrl.u32 s13, $0x3  }
0xc3: {  	[spmem:s17@s4], [sflag:s29] =	dma.strided [hbm:s20@s4], $0x100, s0, $0x10   }
0xc4: {  	(v2sf) =	vpush v3, $0xD;
	_ =	sdelay $0xe  }
0xc5: {  	s18 =	spop (v2sf)  }
0xc6: {  	s20 =	sshll.u32 s18, $0xB;
	s18 =	sshll.u32 s18, $0x7  }
0xc7: {  	s20 =	sand.u32 $0xFFFFC000, s20;
	s18 =	sand.u32 $0x380, s18  }
0xc8: {  	s18 =	sor.u32 s18, s20  }
0xc9: {  	s21 =	rddreg [dreg:$0x15];
	s18 =	sshrl.u32 s18, $0x3  }
0xca: {  	s20 =	sshrl.u32 s21, $0x3;
	s18 =	sadd.s32 s1, s18  }
0xcb: {  	[spmem:s20@s4], [sflag:s29] =	dma.strided [hbm:s18@s4], $0x100, s0, $0x10   }
0xcc: {  	(v2sf) =	vpush v3, $0xE;
	_ =	sdelay $0xe  }
0xcd: {  	s18 =	spop (v2sf)  }
0xce: {  	s21 =	sshll.u32 s18, $0xB;
	s18 =	sshll.u32 s18, $0x7  }
0xcf: {  	s21 =	sand.u32 $0xFFFFC000, s21;
	s18 =	sand.u32 $0x380, s18  }
0xd0: {  	s18 =	sor.u32 s18, s21  }
0xd1: {  	s24 =	rddreg [dreg:$0x16];
	s18 =	sshrl.u32 s18, $0x3  }
0xd2: {  	s22 =	sadd.s32 s1, s18;
	s18 =	sshrl.u32 s24, $0x3  }
0xd3: {  	[spmem:s18@s4], [sflag:s29] =	dma.strided [hbm:s22@s4], $0x100, s0, $0x10   }
0xd4: {  	(v2sf) =	vpush v3, $0xF;
	_ =	sdelay $0xe  }
0xd5: {  	s21 =	spop (v2sf)  }
0xd6: {  	s22 =	sshll.u32 s21, $0xB;
	s21 =	sshll.u32 s21, $0x7  }
0xd7: {  	s22 =	sand.u32 $0xFFFFC000, s22;
	s21 =	sand.u32 $0x380, s21  }
0xd8: {  	s21 =	sor.u32 s21, s22  }
0xd9: {  	s26 =	rddreg [dreg:$0x17];
	s21 =	sshrl.u32 s21, $0x3  }
0xda: {  	s25 =	sadd.s32 s1, s21;
	s21 =	sshrl.u32 s26, $0x3  }
0xdb: {  	[spmem:s21@s4], [sflag:s29] =	dma.strided [hbm:s25@s4], $0x100, s0, $0x10   }
0xdc: {  	v3 =	vld [tilespmem:$0x20];
	_ =	sdelay $0x4  }
0xdd: {  	v63 =	vshll.u32 v3, $0x4  }
0xde: {  	v3 =	vand.u32 $0x7, v3;
	v4 =	vand.u32 $0xFFFFFF80, v63  }
0xdf: {  	v3 =	vor.u32 v3, v4  }
0xe0: {  	v4 =	vperm.xlane v3, v0;
	_ =	sdelay $0x1  }
0xe1: {  	v4 =	vadd.s32 v1, v4;
	_ =	sdelay $0x4  }
0xe2: {  	[tilespmem:s23], [sflag:$0x2] =	stream.indirect_vreg.gather [hbm4b:s1+s3], $0x80, v4, vm0, $0xb8;
	[tilespmem:$0x18200] =	vst v63  }
0xe3: {  	s28 =	simm.s32 $0x8A00  }
0xe4: {  	[tilespmem:s28], [sflag:$0x2] =	stream.indirect_vreg.gather [hbm4b:s5+s3], $0x80, v4, vm0, $0xb8;
	[tilespmem:$0x18200] =	vst v63  }
0xe5: {  	s16 =	simm.s32 $0x9200  }
0xe6: {  	[tilespmem:s16], [sflag:$0x2] =	stream.indirect_vreg.gather [hbm4b:s6+s3], $0x80, v4, vm0, $0xb8;
	[tilespmem:$0x18200] =	vst v63  }
0xe7: {  	s22 =	simm.s32 $0x9A00  }
0xe8: {  	[tilespmem:s22], [sflag:$0x2] =	stream.indirect_vreg.gather [hbm4b:s7+s3], $0x80, v4, vm0, $0xb8;
	[tilespmem:$0x18200] =	vst v63  }
0xe9: {  	s23 =	simm.s32 $0xA200  }
0xea: {  	[tilespmem:s23], [sflag:$0x2] =	stream.indirect_vreg.gather [hbm4b:s8+s3], $0x80, v4, vm0, $0xb8;
	[tilespmem:$0x18200] =	vst v63  }
0xeb: {  	s24 =	simm.s32 $0xAA00;
	v3 =	vperm.xlane v3, v2  }
0xec: {  	[tilespmem:s24], [sflag:$0x2] =	stream.indirect_vreg.gather [hbm4b:s9+s3], $0x80, v4, vm0, $0xb8;
	[tilespmem:$0x18200] =	vst v63  }
0xed: {  	s25 =	simm.s32 $0xB200;
	v3 =	vadd.s32 v1, v3  }
0xee: {  	[tilespmem:s25], [sflag:$0x2] =	stream.indirect_vreg.gather [hbm4b:s10+s3], $0x80, v4, vm0, $0xb8;
	[tilespmem:$0x18200] =	vst v63  }
0xef: {  	s26 =	simm.s32 $0xBA00  }
0xf0: {  	[tilespmem:s26], [sflag:$0x2] =	stream.indirect_vreg.gather [hbm4b:s11+s3], $0x80, v4, vm0, $0xb8;
	[tilespmem:$0x18200] =	vst v63  }
0xf1: {  	s28 =	simm.s32 $0xC200  }
0xf2: {  	[tilespmem:s28], [sflag:$0x2] =	stream.indirect_vreg.gather [hbm4b:s1+s3], $0x80, v3, vm0, $0xb8;
	[tilespmem:$0x18200] =	vst v63  }
0xf3: {  	s16 =	simm.s32 $0xCA00  }
0xf4: {  	[tilespmem:s16], [sflag:$0x2] =	stream.indirect_vreg.gather [hbm4b:s5+s3], $0x80, v3, vm0, $0xb8;
	[tilespmem:$0x18200] =	vst v63  }
0xf5: {  	s22 =	simm.s32 $0xD200  }
0xf6: {  	[tilespmem:s22], [sflag:$0x2] =	stream.indirect_vreg.gather [hbm4b:s6+s3], $0x80, v3, vm0, $0xb8;
	[tilespmem:$0x18200] =	vst v63  }
0xf7: {  	s23 =	simm.s32 $0xDA00  }
0xf8: {  	[tilespmem:s23], [sflag:$0x2] =	stream.indirect_vreg.gather [hbm4b:s7+s3], $0x80, v3, vm0, $0xb8;
	[tilespmem:$0x18200] =	vst v63  }
0xf9: {  	s24 =	simm.s32 $0xE200  }
0xfa: {  	[tilespmem:s24], [sflag:$0x2] =	stream.indirect_vreg.gather [hbm4b:s8+s3], $0x80, v3, vm0, $0xb8;
	[tilespmem:$0x18200] =	vst v63  }
0xfb: {  	s25 =	simm.s32 $0xEA00  }
0xfc: {  	[tilespmem:s25], [sflag:$0x2] =	stream.indirect_vreg.gather [hbm4b:s9+s3], $0x80, v3, vm0, $0xb8;
	[tilespmem:$0x18200] =	vst v63  }
0xfd: {  	s26 =	simm.s32 $0xF200;
	s28 =	simm.s32 $0xFA00  }
0xfe: {  	[tilespmem:s26], [sflag:$0x2] =	stream.indirect_vreg.gather [hbm4b:s10+s3], $0x80, v3, vm0, $0xb8;
	[tilespmem:$0x18200] =	vst v63  }
0xff: {  	s16 =	simm.s32 $0x8200;
	s22 =	simm.s32 $0x60;
	s24 =	simm.s32 $0x0  }
0x100: {  	[tilespmem:s28], [sflag:$0x2] =	stream.indirect_vreg.gather [hbm4b:s11+s3], $0x80, v3, vm0, $0xb8;
	[tilespmem:$0x18200] =	vst v63  }
.LBB2_2:
0x101: {  	_ =	swait.ge [sflag:s0], $0x8000  }
0x102: {  	[sflag:s0] =	ssyncset.done $0x0;
	s13 =	rddreg [dreg:$0x11]  }
0x103: {  	s28 =	simm.s32 $0x200;
	[sflag:s0] =	ssyncadd.s32 $0xFFFF8000;
	s25 =	sadd.s32 s24, s13  }
0x104: {  	[hbm4b:s25+s3] =	stream.linear.scatter [tilespmem:s28], [sflag:$0x3], $0x8000, $0x38;
	[tilespmem:$0x18200] =	vst v63  }
0x105: {  	_ =	swait.ge [sflag:s12], $0x800  }
0x106: {  	[sflag:s12] =	ssyncset.done $0x0;
	s13 =	rddreg [dreg:$0x19]  }
0x107: {  	s28 =	sadd.s32 $0x1000, s25;
	[sflag:s12] =	ssyncadd.s32 $0xFFFFF800;
	s26 =	sor.u32 $0x1C07, s13  }
0x108: {  	[hbm:s28], [sflag:s26] =	dma.local [spmem:s19], $0x800  }
0x109: {  	_ =	swait.ge [sflag:s31], $0x800  }
0x10a: {  	[sflag:s31] =	ssyncset.done $0x0  }
0x10b: {  	s23 =	sadd.s32 $0x1800, s25;
	s28 =	sor.u32 $0x1C08, s13;
	[sflag:s31] =	ssyncadd.s32 $0xFFFFF800  }
0x10c: {  	[hbm:s23], [sflag:s28] =	dma.local [spmem:s30], $0x800  }
0x10d: {  	_ =	swait.ge [sflag:s14], $0x800  }
0x10e: {  	[sflag:s14] =	ssyncset.done $0x0  }
0x10f: {  	[sflag:s14] =	ssyncadd.s32 $0xFFFFF800  }
0x110: {  	v3 =	vld [tilespmem:s22+$0xFFFFFFD0];
	_ =	sdelay $0x4  }
0x111: {  	(v2sf) =	vpush v3, $0x0;
	_ =	sdelay $0xe  }
0x112: {  	s23 =	spop (v2sf)  }
0x113: {  	s13 =	sshll.u32 s23, $0xB;
	s23 =	sshll.u32 s23, $0x7  }
0x114: {  	s13 =	sand.u32 $0xFFFFC000, s13;
	s23 =	sand.u32 $0x380, s23  }
0x115: {  	s13 =	sor.u32 s23, s13  }
0x116: {  	s13 =	sshrl.u32 s13, $0x3  }
0x117: {  	s13 =	sadd.s32 s1, s13  }
0x118: {  	[spmem:s19@s4], [sflag:s2] =	dma.strided [hbm:s13@s4], $0x100, s0, $0x10   }
0x119: {  	(v2sf) =	vpush v3, $0x1;
	_ =	sdelay $0xe  }
0x11a: {  	s13 =	spop (v2sf)  }
0x11b: {  	s23 =	sshll.u32 s13, $0xB;
	s13 =	sshll.u32 s13, $0x7  }
0x11c: {  	s23 =	sand.u32 $0xFFFFC000, s23;
	s13 =	sand.u32 $0x380, s13  }
0x11d: {  	s13 =	sor.u32 s13, s23  }
0x11e: {  	s13 =	sshrl.u32 s13, $0x3  }
0x11f: {  	s23 =	rddreg [dreg:$0x1a];
	s13 =	sadd.s32 s1, s13  }
0x120: {  	[spmem:s23@s4], [sflag:s2] =	dma.strided [hbm:s13@s4], $0x100, s0, $0x10   }
0x121: {  	(v2sf) =	vpush v3, $0x2;
	_ =	sdelay $0xe  }
0x122: {  	s13 =	spop (v2sf)  }
0x123: {  	s23 =	sshll.u32 s13, $0xB;
	s13 =	sshll.u32 s13, $0x7  }
0x124: {  	s23 =	sand.u32 $0xFFFFC000, s23;
	s13 =	sand.u32 $0x380, s13  }
0x125: {  	s13 =	sor.u32 s13, s23  }
0x126: {  	s13 =	sshrl.u32 s13, $0x3  }
0x127: {  	s23 =	rddreg [dreg:$0x1b];
	s13 =	sadd.s32 s1, s13  }
0x128: {  	[spmem:s23@s4], [sflag:s2] =	dma.strided [hbm:s13@s4], $0x100, s0, $0x10   }
0x129: {  	(v2sf) =	vpush v3, $0x3;
	_ =	sdelay $0xe  }
0x12a: {  	s13 =	spop (v2sf)  }
0x12b: {  	s23 =	sshll.u32 s13, $0xB;
	s13 =	sshll.u32 s13, $0x7  }
0x12c: {  	s23 =	sand.u32 $0xFFFFC000, s23;
	s13 =	sand.u32 $0x380, s13  }
0x12d: {  	s13 =	sor.u32 s13, s23  }
0x12e: {  	s13 =	sshrl.u32 s13, $0x3  }
0x12f: {  	s23 =	rddreg [dreg:$0x1c];
	s13 =	sadd.s32 s1, s13  }
0x130: {  	[spmem:s23@s4], [sflag:s2] =	dma.strided [hbm:s13@s4], $0x100, s0, $0x10   }
0x131: {  	(v2sf) =	vpush v3, $0x4;
	_ =	sdelay $0xe  }
0x132: {  	s13 =	spop (v2sf)  }
0x133: {  	s23 =	sshll.u32 s13, $0xB;
	s13 =	sshll.u32 s13, $0x7  }
0x134: {  	s23 =	sand.u32 $0xFFFFC000, s23;
	s13 =	sand.u32 $0x380, s13  }
0x135: {  	s13 =	sor.u32 s13, s23  }
0x136: {  	s13 =	sshrl.u32 s13, $0x3  }
0x137: {  	s23 =	rddreg [dreg:$0x1d];
	s13 =	sadd.s32 s1, s13  }
0x138: {  	[spmem:s23@s4], [sflag:s2] =	dma.strided [hbm:s13@s4], $0x100, s0, $0x10   }
0x139: {  	(v2sf) =	vpush v3, $0x5;
	_ =	sdelay $0xe  }
0x13a: {  	s13 =	spop (v2sf)  }
0x13b: {  	s23 =	sshll.u32 s13, $0xB;
	s13 =	sshll.u32 s13, $0x7  }
0x13c: {  	s23 =	sand.u32 $0xFFFFC000, s23;
	s13 =	sand.u32 $0x380, s13  }
0x13d: {  	s13 =	sor.u32 s13, s23  }
0x13e: {  	s13 =	sshrl.u32 s13, $0x3  }
0x13f: {  	s23 =	rddreg [dreg:$0x1e];
	s13 =	sadd.s32 s1, s13  }
0x140: {  	[spmem:s23@s4], [sflag:s2] =	dma.strided [hbm:s13@s4], $0x100, s0, $0x10   }
0x141: {  	(v2sf) =	vpush v3, $0x6;
	_ =	sdelay $0xe  }
0x142: {  	s13 =	spop (v2sf)  }
0x143: {  	s23 =	sshll.u32 s13, $0xB;
	s13 =	sshll.u32 s13, $0x7  }
0x144: {  	s23 =	sand.u32 $0xFFFFC000, s23;
	s13 =	sand.u32 $0x380, s13  }
0x145: {  	s13 =	sor.u32 s13, s23  }
0x146: {  	s13 =	sshrl.u32 s13, $0x3  }
0x147: {  	s23 =	rddreg [dreg:$0x1f];
	s13 =	sadd.s32 s1, s13  }
0x148: {  	[spmem:s23@s4], [sflag:s2] =	dma.strided [hbm:s13@s4], $0x100, s0, $0x10   }
0x149: {  	(v2sf) =	vpush v3, $0x7;
	_ =	sdelay $0xe  }
0x14a: {  	s13 =	spop (v2sf)  }
0x14b: {  	s23 =	sshll.u32 s13, $0xB;
	s13 =	sshll.u32 s13, $0x7  }
0x14c: {  	s23 =	sand.u32 $0xFFFFC000, s23;
	s13 =	sand.u32 $0x380, s13  }
0x14d: {  	s13 =	sor.u32 s13, s23;
	s23 =	sld [smem:$0x7FA]  }
0x14e: {  	s13 =	sshrl.u32 s13, $0x3  }
0x14f: {  	s13 =	sadd.s32 s1, s13  }
0x150: {  	[spmem:s23@s4], [sflag:s2] =	dma.strided [hbm:s13@s4], $0x100, s0, $0x10   }
0x151: {  	_ =	swait.ge [sflag:s15], $0x800  }
0x152: {  	(v2sf) =	vpush v3, $0x8;
	_ =	sdelay $0xe  }
0x153: {  	s13 =	spop (v2sf)  }
0x154: {  	s23 =	sshll.u32 s13, $0xB;
	s13 =	sshll.u32 s13, $0x7  }
0x155: {  	s23 =	sand.u32 $0xFFFFC000, s23;
	s13 =	sand.u32 $0x380, s13  }
0x156: {  	s13 =	sor.u32 s13, s23  }
0x157: {  	[sflag:s15] =	ssyncset.done $0x0;
	s13 =	sshrl.u32 s13, $0x3  }
0x158: {  	[sflag:s15] =	ssyncadd.s32 $0xFFFFF800;
	s13 =	sadd.s32 s1, s13  }
0x159: {  	[spmem:s30@s4], [sflag:s29] =	dma.strided [hbm:s13@s4], $0x100, s0, $0x10   }
0x15a: {  	(v2sf) =	vpush v3, $0x9;
	_ =	sdelay $0xe  }
0x15b: {  	s13 =	spop (v2sf)  }
0x15c: {  	s23 =	sshll.u32 s13, $0xB;
	s13 =	sshll.u32 s13, $0x7  }
0x15d: {  	s23 =	sand.u32 $0xFFFFC000, s23;
	s13 =	sand.u32 $0x380, s13  }
0x15e: {  	s13 =	sor.u32 s13, s23;
	s23 =	sld [smem:$0x7FB]  }
0x15f: {  	s13 =	sshrl.u32 s13, $0x3  }
0x160: {  	s13 =	sadd.s32 s1, s13  }
0x161: {  	[spmem:s23@s4], [sflag:s29] =	dma.strided [hbm:s13@s4], $0x100, s0, $0x10   }
0x162: {  	(v2sf) =	vpush v3, $0xA;
	_ =	sdelay $0xe  }
0x163: {  	s13 =	spop (v2sf)  }
0x164: {  	s23 =	sshll.u32 s13, $0xB;
	s13 =	sshll.u32 s13, $0x7  }
0x165: {  	s23 =	sand.u32 $0xFFFFC000, s23;
	s13 =	sand.u32 $0x380, s13  }
0x166: {  	s13 =	sor.u32 s13, s23;
	s23 =	sld [smem:$0x7FC]  }
0x167: {  	s13 =	sshrl.u32 s13, $0x3  }
0x168: {  	s13 =	sadd.s32 s1, s13  }
0x169: {  	[spmem:s23@s4], [sflag:s29] =	dma.strided [hbm:s13@s4], $0x100, s0, $0x10   }
0x16a: {  	(v2sf) =	vpush v3, $0xB;
	_ =	sdelay $0xe  }
0x16b: {  	s13 =	spop (v2sf)  }
0x16c: {  	s23 =	sshll.u32 s13, $0xB;
	s13 =	sshll.u32 s13, $0x7  }
0x16d: {  	s23 =	sand.u32 $0xFFFFC000, s23;
	s13 =	sand.u32 $0x380, s13  }
0x16e: {  	s13 =	sor.u32 s13, s23;
	s23 =	sld [smem:$0x7FD]  }
0x16f: {  	s13 =	sshrl.u32 s13, $0x3  }
0x170: {  	s13 =	sadd.s32 s1, s13  }
0x171: {  	[spmem:s23@s4], [sflag:s29] =	dma.strided [hbm:s13@s4], $0x100, s0, $0x10   }
0x172: {  	(v2sf) =	vpush v3, $0xC;
	_ =	sdelay $0xe  }
0x173: {  	s13 =	spop (v2sf)  }
0x174: {  	s23 =	sshll.u32 s13, $0xB;
	s13 =	sshll.u32 s13, $0x7  }
0x175: {  	s23 =	sand.u32 $0xFFFFC000, s23;
	s13 =	sand.u32 $0x380, s13  }
0x176: {  	s13 =	sor.u32 s13, s23  }
0x177: {  	s13 =	sshrl.u32 s13, $0x3  }
0x178: {  	s13 =	sadd.s32 s1, s13  }
0x179: {  	[spmem:s17@s4], [sflag:s29] =	dma.strided [hbm:s13@s4], $0x100, s0, $0x10   }
0x17a: {  	(v2sf) =	vpush v3, $0xD;
	_ =	sdelay $0xe  }
0x17b: {  	s13 =	spop (v2sf)  }
0x17c: {  	s23 =	sshll.u32 s13, $0xB;
	s13 =	sshll.u32 s13, $0x7  }
0x17d: {  	s23 =	sand.u32 $0xFFFFC000, s23;
	s13 =	sand.u32 $0x380, s13  }
0x17e: {  	s13 =	sor.u32 s13, s23  }
0x17f: {  	s13 =	sshrl.u32 s13, $0x3  }
0x180: {  	s13 =	sadd.s32 s1, s13  }
0x181: {  	[spmem:s20@s4], [sflag:s29] =	dma.strided [hbm:s13@s4], $0x100, s0, $0x10   }
0x182: {  	(v2sf) =	vpush v3, $0xE;
	_ =	sdelay $0xe  }
0x183: {  	s13 =	spop (v2sf)  }
0x184: {  	s23 =	sshll.u32 s13, $0xB;
	s13 =	sshll.u32 s13, $0x7  }
0x185: {  	s23 =	sand.u32 $0xFFFFC000, s23;
	s13 =	sand.u32 $0x380, s13  }
0x186: {  	s13 =	sor.u32 s13, s23  }
0x187: {  	s13 =	sshrl.u32 s13, $0x3  }
0x188: {  	s13 =	sadd.s32 s1, s13  }
0x189: {  	[spmem:s18@s4], [sflag:s29] =	dma.strided [hbm:s13@s4], $0x100, s0, $0x10   }
0x18a: {  	(v2sf) =	vpush v3, $0xF;
	_ =	sdelay $0xe  }
0x18b: {  	s13 =	spop (v2sf)  }
0x18c: {  	s23 =	sshll.u32 s13, $0xB;
	s13 =	sshll.u32 s13, $0x7  }
0x18d: {  	s23 =	sand.u32 $0xFFFFC000, s23;
	s13 =	sand.u32 $0x380, s13  }
0x18e: {  	s13 =	sor.u32 s13, s23  }
0x18f: {  	s13 =	sshrl.u32 s13, $0x3  }
0x190: {  	p0 =	seq.s32 s24, $0x1C000;
	s13 =	sadd.s32 s1, s13  }
0x191: {  	[spmem:s21@s4], [sflag:s29] =	dma.strided [hbm:s13@s4], $0x100, s0, $0x10   }
0x192: {  	s13 =	simm.s32 @!p0 $0x3  }
0x193: {  	_ =	swait.ge @!p0 [sflag:s13], $0x8000  }
0x194: {  	[sflag:s13] =	ssyncset.done @!p0 $0x0  }
0x195: {  	[sflag:s13] =	ssyncadd.s32 @!p0 $0xFFFF8000  }
0x196: {  	v3 =	vld @!p0 [tilespmem:s22+$0xFFFFFFE0];
	_ =	sdelay $0x4  }
0x197: {  	v4 =	vshll.u32 @!p0 v3, $0x4  }
0x198: {  	v5 =	vlaneseq.u32 @!p0;
	v3 =	vand.u32 @!p0 $0x7, v3;
	v4 =	vand.u32 @!p0 $0xFFFFFF80, v4  }
0x199: {  	v6 =	vshrl.u32 @!p0 v5, $0x3;
	v3 =	vor.u32 @!p0 v3, v4;
	v4 =	vand.u32 @!p0 $0x7, v5  }
0x19a: {  	v6 =	vmul.u32 @!p0 $0x8, v6;
	v4 =	vperm.xlane @!p0 v3, v4;
	_ =	sdelay $0x1  }
0x19b: {  	v4 =	vadd.s32 @!p0 v6, v4;
	_ =	sdelay $0x3  }
0x19c: {  	vm1 =	vmmov @!p0 $0xffff;
	s23 =	simm.s32 @!p0 $0x200;
	s13 =	simm.s32 @!p0 $0x0  }
0x19d: {  	[tilespmem:s23], [sflag:$0x1] =	stream.indirect_vreg.gather @!p0 [hbm4b:s1+s13], $0x80, v4, vm1, $0xb8;
	[tilespmem:$0x18200] =	vst v63  }
0x19e: {  	s23 =	simm.s32 @!p0 $0xA00  }
0x19f: {  	[tilespmem:s23], [sflag:$0x1] =	stream.indirect_vreg.gather @!p0 [hbm4b:s5+s13], $0x80, v4, vm1, $0xb8;
	[tilespmem:$0x18200] =	vst v63  }
0x1a0: {  	s23 =	simm.s32 @!p0 $0x1200  }
0x1a1: {  	[tilespmem:s23], [sflag:$0x1] =	stream.indirect_vreg.gather @!p0 [hbm4b:s6+s13], $0x80, v4, vm1, $0xb8;
	[tilespmem:$0x18200] =	vst v63  }
0x1a2: {  	s23 =	simm.s32 @!p0 $0x1A00  }
0x1a3: {  	[tilespmem:s23], [sflag:$0x1] =	stream.indirect_vreg.gather @!p0 [hbm4b:s7+s13], $0x80, v4, vm1, $0xb8;
	[tilespmem:$0x18200] =	vst v63  }
0x1a4: {  	s23 =	simm.s32 @!p0 $0x2200  }
0x1a5: {  	v5 =	vor.u32 @!p0 $0x8, v5;
	[tilespmem:s23], [sflag:$0x1] =	stream.indirect_vreg.gather @!p0 [hbm4b:s8+s13], $0x80, v4, vm1, $0xb8;
	[tilespmem:$0x18200] =	vst v63  }
0x1a6: {  	v3 =	vperm.xlane @!p0 v3, v5;
	s23 =	simm.s32 @!p0 $0x2A00  }
0x1a7: {  	[tilespmem:s23], [sflag:$0x1] =	stream.indirect_vreg.gather @!p0 [hbm4b:s9+s13], $0x80, v4, vm1, $0xb8;
	[tilespmem:$0x18200] =	vst v63  }
0x1a8: {  	v3 =	vadd.s32 @!p0 v6, v3;
	s23 =	simm.s32 @!p0 $0x3200  }
0x1a9: {  	[tilespmem:s23], [sflag:$0x1] =	stream.indirect_vreg.gather @!p0 [hbm4b:s10+s13], $0x80, v4, vm1, $0xb8;
	[tilespmem:$0x18200] =	vst v63  }
0x1aa: {  	s23 =	simm.s32 @!p0 $0x3A00  }
0x1ab: {  	[tilespmem:s23], [sflag:$0x1] =	stream.indirect_vreg.gather @!p0 [hbm4b:s11+s13], $0x80, v4, vm1, $0xb8;
	[tilespmem:$0x18200] =	vst v63  }
0x1ac: {  	s23 =	simm.s32 @!p0 $0x4200  }
0x1ad: {  	[tilespmem:s23], [sflag:$0x1] =	stream.indirect_vreg.gather @!p0 [hbm4b:s1+s13], $0x80, v3, vm1, $0xb8;
	[tilespmem:$0x18200] =	vst v63  }
0x1ae: {  	s23 =	simm.s32 @!p0 $0x4A00  }
0x1af: {  	[tilespmem:s23], [sflag:$0x1] =	stream.indirect_vreg.gather @!p0 [hbm4b:s5+s13], $0x80, v3, vm1, $0xb8;
	[tilespmem:$0x18200] =	vst v63  }
0x1b0: {  	s23 =	simm.s32 @!p0 $0x5200  }
0x1b1: {  	[tilespmem:s23], [sflag:$0x1] =	stream.indirect_vreg.gather @!p0 [hbm4b:s6+s13], $0x80, v3, vm1, $0xb8;
	[tilespmem:$0x18200] =	vst v63  }
0x1b2: {  	s23 =	simm.s32 @!p0 $0x5A00  }
0x1b3: {  	[tilespmem:s23], [sflag:$0x1] =	stream.indirect_vreg.gather @!p0 [hbm4b:s7+s13], $0x80, v3, vm1, $0xb8;
	[tilespmem:$0x18200] =	vst v63  }
0x1b4: {  	s23 =	simm.s32 @!p0 $0x6200  }
0x1b5: {  	[tilespmem:s23], [sflag:$0x1] =	stream.indirect_vreg.gather @!p0 [hbm4b:s8+s13], $0x80, v3, vm1, $0xb8;
	[tilespmem:$0x18200] =	vst v63  }
0x1b6: {  	s23 =	simm.s32 @!p0 $0x6A00  }
0x1b7: {  	[tilespmem:s23], [sflag:$0x1] =	stream.indirect_vreg.gather @!p0 [hbm4b:s9+s13], $0x80, v3, vm1, $0xb8;
	[tilespmem:$0x18200] =	vst v63  }
0x1b8: {  	s23 =	simm.s32 @!p0 $0x7200  }
0x1b9: {  	[tilespmem:s23], [sflag:$0x1] =	stream.indirect_vreg.gather @!p0 [hbm4b:s10+s13], $0x80, v3, vm1, $0xb8;
	[tilespmem:$0x18200] =	vst v63  }
0x1ba: {  	s23 =	simm.s32 @!p0 $0x7A00  }
0x1bb: {  	[tilespmem:s23], [sflag:$0x1] =	stream.indirect_vreg.gather @!p0 [hbm4b:s11+s13], $0x80, v3, vm1, $0xb8;
	[tilespmem:$0x18200] =	vst v63  }
0x1bc: {  	s23 =	simm.s32 $0x2  }
0x1bd: {  	_ =	swait.ge [sflag:s23], $0x8000  }
0x1be: {  	[sflag:s23] =	ssyncset.done $0x0  }
0x1bf: {  	[sflag:s23] =	ssyncadd.s32 $0xFFFF8000;
	s23 =	sadd.s32 $0x2000, s25  }
0x1c0: {  	[hbm4b:s23+s3] =	stream.linear.scatter [tilespmem:s16], [sflag:$0x4], $0x8000, $0x38;
	[tilespmem:$0x18200] =	vst v63  }
0x1c1: {  	_ =	swait.ge [sflag:s12], $0x800  }
0x1c2: {  	[sflag:s12] =	ssyncset.done $0x0  }
0x1c3: {  	s23 =	sadd.s32 $0x3000, s25;
	[sflag:s12] =	ssyncadd.s32 $0xFFFFF800  }
0x1c4: {  	[hbm:s23], [sflag:s26] =	dma.local [spmem:s19], $0x800  }
.Ltmp2:
0x1c5: {  	_ = 	snop;
	(pc) =	sbr.rel @p0 .LBB2_4-.Ltmp2, $4  }
0x1c6: {  	_ =	swait.ge [sflag:s31], $0x800  }
0x1c7: {  	[sflag:s31] =	ssyncset.done $0x0  }
0x1c8: {  	s26 =	sadd.s32 $0x3800, s25;
	s23 =	simm.s32 $0x8200;
	[sflag:s31] =	ssyncadd.s32 $0xFFFFF800  }
0x1c9: {  	[hbm:s26], [sflag:s28] =	dma.local [spmem:s30], $0x800  }
0x1ca: {  	_ =	swait.ge [sflag:s14], $0x800  }
0x1cb: {  	[sflag:s14] =	ssyncset.done $0x0  }
0x1cc: {  	[sflag:s14] =	ssyncadd.s32 $0xFFFFF800  }
0x1cd: {  	v3 =	vld [tilespmem:s22+$0xFFFFFFF0];
	_ =	sdelay $0x4  }
0x1ce: {  	(v2sf) =	vpush v3, $0x0;
	_ =	sdelay $0xe  }
0x1cf: {  	s13 =	spop (v2sf)  }
0x1d0: {  	s23 =	sshll.u32 s13, $0xB;
	s13 =	sshll.u32 s13, $0x7  }
0x1d1: {  	s23 =	sand.u32 $0xFFFFC000, s23;
	s13 =	sand.u32 $0x380, s13  }
0x1d2: {  	s13 =	sor.u32 s13, s23  }
0x1d3: {  	s13 =	sshrl.u32 s13, $0x3  }
0x1d4: {  	s13 =	sadd.s32 s1, s13  }
0x1d5: {  	[spmem:s19@s4], [sflag:s2] =	dma.strided [hbm:s13@s4], $0x100, s0, $0x10   }
0x1d6: {  	(v2sf) =	vpush v3, $0x1;
	_ =	sdelay $0xe  }
0x1d7: {  	s13 =	spop (v2sf)  }
0x1d8: {  	s26 =	sshll.u32 s13, $0xB;
	s13 =	sshll.u32 s13, $0x7  }
0x1d9: {  	s23 =	sand.u32 $0xFFFFC000, s26;
	s13 =	sand.u32 $0x380, s13  }
0x1da: {  	s13 =	sor.u32 s13, s23  }
0x1db: {  	s13 =	sshrl.u32 s13, $0x3  }
0x1dc: {  	s28 =	rddreg [dreg:$0x1a];
	s13 =	sadd.s32 s1, s13  }
0x1dd: {  	[spmem:s28@s4], [sflag:s2] =	dma.strided [hbm:s13@s4], $0x100, s0, $0x10   }
0x1de: {  	(v2sf) =	vpush v3, $0x2;
	_ =	sdelay $0xe  }
0x1df: {  	s13 =	spop (v2sf)  }
0x1e0: {  	s25 =	sshll.u32 s13, $0xB;
	s13 =	sshll.u32 s13, $0x7  }
0x1e1: {  	s23 =	sand.u32 $0xFFFFC000, s25;
	s13 =	sand.u32 $0x380, s13  }
0x1e2: {  	s13 =	sor.u32 s13, s23  }
0x1e3: {  	s13 =	sshrl.u32 s13, $0x3  }
0x1e4: {  	s26 =	rddreg [dreg:$0x1b];
	s13 =	sadd.s32 s1, s13  }
0x1e5: {  	[spmem:s26@s4], [sflag:s2] =	dma.strided [hbm:s13@s4], $0x100, s0, $0x10   }
0x1e6: {  	(v2sf) =	vpush v3, $0x3;
	_ =	sdelay $0xe  }
0x1e7: {  	s13 =	spop (v2sf)  }
0x1e8: {  	s28 =	sshll.u32 s13, $0xB;
	s13 =	sshll.u32 s13, $0x7  }
0x1e9: {  	s23 =	sand.u32 $0xFFFFC000, s28;
	s13 =	sand.u32 $0x380, s13  }
0x1ea: {  	s13 =	sor.u32 s13, s23  }
0x1eb: {  	s13 =	sshrl.u32 s13, $0x3  }
0x1ec: {  	s25 =	rddreg [dreg:$0x1c];
	s13 =	sadd.s32 s1, s13  }
0x1ed: {  	[spmem:s25@s4], [sflag:s2] =	dma.strided [hbm:s13@s4], $0x100, s0, $0x10   }
0x1ee: {  	(v2sf) =	vpush v3, $0x4;
	_ =	sdelay $0xe  }
0x1ef: {  	s13 =	spop (v2sf)  }
0x1f0: {  	s26 =	sshll.u32 s13, $0xB;
	s13 =	sshll.u32 s13, $0x7  }
0x1f1: {  	s23 =	sand.u32 $0xFFFFC000, s26;
	s13 =	sand.u32 $0x380, s13  }
0x1f2: {  	s13 =	sor.u32 s13, s23  }
0x1f3: {  	s13 =	sshrl.u32 s13, $0x3  }
0x1f4: {  	s28 =	rddreg [dreg:$0x1d];
	s13 =	sadd.s32 s1, s13  }
0x1f5: {  	[spmem:s28@s4], [sflag:s2] =	dma.strided [hbm:s13@s4], $0x100, s0, $0x10   }
0x1f6: {  	(v2sf) =	vpush v3, $0x5;
	_ =	sdelay $0xe  }
0x1f7: {  	s13 =	spop (v2sf)  }
0x1f8: {  	s25 =	sshll.u32 s13, $0xB;
	s13 =	sshll.u32 s13, $0x7  }
0x1f9: {  	s23 =	sand.u32 $0xFFFFC000, s25;
	s13 =	sand.u32 $0x380, s13  }
0x1fa: {  	s13 =	sor.u32 s13, s23  }
0x1fb: {  	s13 =	sshrl.u32 s13, $0x3  }
0x1fc: {  	s26 =	rddreg [dreg:$0x1e];
	s13 =	sadd.s32 s1, s13  }
0x1fd: {  	[spmem:s26@s4], [sflag:s2] =	dma.strided [hbm:s13@s4], $0x100, s0, $0x10   }
0x1fe: {  	(v2sf) =	vpush v3, $0x6;
	_ =	sdelay $0xe  }
0x1ff: {  	s13 =	spop (v2sf)  }
0x200: {  	s28 =	sshll.u32 s13, $0xB;
	s13 =	sshll.u32 s13, $0x7  }
0x201: {  	s23 =	sand.u32 $0xFFFFC000, s28;
	s13 =	sand.u32 $0x380, s13  }
0x202: {  	s13 =	sor.u32 s13, s23  }
0x203: {  	s13 =	sshrl.u32 s13, $0x3  }
0x204: {  	s25 =	rddreg [dreg:$0x1f];
	s13 =	sadd.s32 s1, s13  }
0x205: {  	[spmem:s25@s4], [sflag:s2] =	dma.strided [hbm:s13@s4], $0x100, s0, $0x10   }
0x206: {  	(v2sf) =	vpush v3, $0x7;
	_ =	sdelay $0xe  }
0x207: {  	s13 =	spop (v2sf)  }
0x208: {  	s26 =	sshll.u32 s13, $0xB;
	s13 =	sshll.u32 s13, $0x7  }
0x209: {  	s23 =	sand.u32 $0xFFFFC000, s26;
	s13 =	sand.u32 $0x380, s13  }
0x20a: {  	s28 =	sld [smem:$0x7FA];
	s13 =	sor.u32 s13, s23  }
0x20b: {  	s13 =	sshrl.u32 s13, $0x3  }
0x20c: {  	s13 =	sadd.s32 s1, s13  }
0x20d: {  	[spmem:s28@s4], [sflag:s2] =	dma.strided [hbm:s13@s4], $0x100, s0, $0x10   }
0x20e: {  	_ =	swait.ge [sflag:s15], $0x800  }
0x20f: {  	(v2sf) =	vpush v3, $0x8;
	_ =	sdelay $0xe  }
0x210: {  	s25 =	spop (v2sf)  }
0x211: {  	s26 =	sshll.u32 s25, $0xB;
	s13 =	sshll.u32 s25, $0x7  }
0x212: {  	s23 =	sand.u32 $0xFFFFC000, s26;
	s13 =	sand.u32 $0x380, s13  }
0x213: {  	s13 =	sor.u32 s13, s23  }
0x214: {  	[sflag:s15] =	ssyncset.done $0x0;
	s13 =	sshrl.u32 s13, $0x3  }
0x215: {  	[sflag:s15] =	ssyncadd.s32 $0xFFFFF800;
	s13 =	sadd.s32 s1, s13  }
0x216: {  	[spmem:s30@s4], [sflag:s29] =	dma.strided [hbm:s13@s4], $0x100, s0, $0x10   }
0x217: {  	(v2sf) =	vpush v3, $0x9;
	_ =	sdelay $0xe  }
0x218: {  	s13 =	spop (v2sf)  }
0x219: {  	s28 =	sshll.u32 s13, $0xB;
	s13 =	sshll.u32 s13, $0x7  }
0x21a: {  	s23 =	sand.u32 $0xFFFFC000, s28;
	s13 =	sand.u32 $0x380, s13  }
0x21b: {  	s25 =	sld [smem:$0x7FB];
	s13 =	sor.u32 s13, s23  }
0x21c: {  	s13 =	sshrl.u32 s13, $0x3  }
0x21d: {  	s13 =	sadd.s32 s1, s13  }
0x21e: {  	[spmem:s25@s4], [sflag:s29] =	dma.strided [hbm:s13@s4], $0x100, s0, $0x10   }
0x21f: {  	(v2sf) =	vpush v3, $0xA;
	_ =	sdelay $0xe  }
0x220: {  	s13 =	spop (v2sf)  }
0x221: {  	s26 =	sshll.u32 s13, $0xB;
	s13 =	sshll.u32 s13, $0x7  }
0x222: {  	s23 =	sand.u32 $0xFFFFC000, s26;
	s13 =	sand.u32 $0x380, s13  }
0x223: {  	s28 =	sld [smem:$0x7FC];
	s13 =	sor.u32 s13, s23  }
0x224: {  	s13 =	sshrl.u32 s13, $0x3  }
0x225: {  	s13 =	sadd.s32 s1, s13  }
0x226: {  	[spmem:s28@s4], [sflag:s29] =	dma.strided [hbm:s13@s4], $0x100, s0, $0x10   }
0x227: {  	(v2sf) =	vpush v3, $0xB;
	_ =	sdelay $0xe  }
0x228: {  	s13 =	spop (v2sf)  }
0x229: {  	s25 =	sshll.u32 s13, $0xB;
	s13 =	sshll.u32 s13, $0x7  }
0x22a: {  	s23 =	sand.u32 $0xFFFFC000, s25;
	s13 =	sand.u32 $0x380, s13  }
0x22b: {  	s26 =	sld [smem:$0x7FD];
	s13 =	sor.u32 s13, s23  }
0x22c: {  	s13 =	sshrl.u32 s13, $0x3  }
0x22d: {  	s13 =	sadd.s32 s1, s13  }
0x22e: {  	[spmem:s26@s4], [sflag:s29] =	dma.strided [hbm:s13@s4], $0x100, s0, $0x10   }
0x22f: {  	(v2sf) =	vpush v3, $0xC;
	_ =	sdelay $0xe  }
0x230: {  	s13 =	spop (v2sf)  }
0x231: {  	s28 =	sshll.u32 s13, $0xB;
	s13 =	sshll.u32 s13, $0x7  }
0x232: {  	s23 =	sand.u32 $0xFFFFC000, s28;
	s13 =	sand.u32 $0x380, s13  }
0x233: {  	s13 =	sor.u32 s13, s23  }
0x234: {  	s13 =	sshrl.u32 s13, $0x3  }
0x235: {  	s13 =	sadd.s32 s1, s13  }
0x236: {  	[spmem:s17@s4], [sflag:s29] =	dma.strided [hbm:s13@s4], $0x100, s0, $0x10   }
0x237: {  	(v2sf) =	vpush v3, $0xD;
	_ =	sdelay $0xe  }
0x238: {  	s13 =	spop (v2sf)  }
0x239: {  	s25 =	sshll.u32 s13, $0xB;
	s13 =	sshll.u32 s13, $0x7  }
0x23a: {  	s23 =	sand.u32 $0xFFFFC000, s25;
	s13 =	sand.u32 $0x380, s13  }
0x23b: {  	s13 =	sor.u32 s13, s23  }
0x23c: {  	s13 =	sshrl.u32 s13, $0x3  }
0x23d: {  	s13 =	sadd.s32 s1, s13  }
0x23e: {  	[spmem:s20@s4], [sflag:s29] =	dma.strided [hbm:s13@s4], $0x100, s0, $0x10   }
0x23f: {  	(v2sf) =	vpush v3, $0xE;
	_ =	sdelay $0xe  }
0x240: {  	s13 =	spop (v2sf)  }
0x241: {  	s26 =	sshll.u32 s13, $0xB;
	s13 =	sshll.u32 s13, $0x7  }
0x242: {  	s23 =	sand.u32 $0xFFFFC000, s26;
	s13 =	sand.u32 $0x380, s13  }
0x243: {  	s13 =	sor.u32 s13, s23  }
0x244: {  	s13 =	sshrl.u32 s13, $0x3  }
0x245: {  	s13 =	sadd.s32 s1, s13  }
0x246: {  	[spmem:s18@s4], [sflag:s29] =	dma.strided [hbm:s13@s4], $0x100, s0, $0x10   }
0x247: {  	(v2sf) =	vpush v3, $0xF;
	_ =	sdelay $0xe  }
0x248: {  	s13 =	spop (v2sf)  }
0x249: {  	s28 =	sshll.u32 s13, $0xB;
	s13 =	sshll.u32 s13, $0x7  }
0x24a: {  	s23 =	sand.u32 $0xFFFFC000, s28;
	s13 =	sand.u32 $0x380, s13  }
0x24b: {  	s13 =	sor.u32 s13, s23  }
0x24c: {  	s13 =	sshrl.u32 s13, $0x3  }
0x24d: {  	s23 =	simm.s32 $0x4;
	s13 =	sadd.s32 s1, s13  }
0x24e: {  	[spmem:s21@s4], [sflag:s29] =	dma.strided [hbm:s13@s4], $0x100, s0, $0x10   }
0x24f: {  	_ =	swait.ge [sflag:s23], $0x8000  }
0x250: {  	[sflag:s23] =	ssyncset.done $0x0  }
0x251: {  	[sflag:s23] =	ssyncadd.s32 $0xFFFF8000  }
0x252: {  	v3 =	vld [tilespmem:s22+$0x0];
	_ =	sdelay $0x4  }
0x253: {  	v4 =	vshll.u32 v3, $0x4  }
0x254: {  	v3 =	vand.u32 $0x7, v3;
	v4 =	vand.u32 $0xFFFFFF80, v4  }
0x255: {  	v3 =	vor.u32 v3, v4  }
0x256: {  	v4 =	vperm.xlane v3, v0;
	_ =	sdelay $0x1  }
0x257: {  	v4 =	vadd.s32 v1, v4;
	_ =	sdelay $0x3  }
0x258: {  	s16 =	simm.s32 $0x8200  }
0x259: {  	[tilespmem:s16], [sflag:$0x2] =	stream.indirect_vreg.gather [hbm4b:s1+s3], $0x80, v4, vm0, $0xb8;
	[tilespmem:$0x18200] =	vst v63  }
0x25a: {  	s25 =	simm.s32 $0x8A00  }
0x25b: {  	[tilespmem:s25], [sflag:$0x2] =	stream.indirect_vreg.gather [hbm4b:s5+s3], $0x80, v4, vm0, $0xb8;
	[tilespmem:$0x18200] =	vst v63  }
0x25c: {  	s26 =	simm.s32 $0x9200  }
0x25d: {  	[tilespmem:s26], [sflag:$0x2] =	stream.indirect_vreg.gather [hbm4b:s6+s3], $0x80, v4, vm0, $0xb8;
	[tilespmem:$0x18200] =	vst v63  }
0x25e: {  	s28 =	simm.s32 $0x9A00  }
0x25f: {  	[tilespmem:s28], [sflag:$0x2] =	stream.indirect_vreg.gather [hbm4b:s7+s3], $0x80, v4, vm0, $0xb8;
	[tilespmem:$0x18200] =	vst v63  }
0x260: {  	s23 =	simm.s32 $0xA200  }
0x261: {  	[tilespmem:s23], [sflag:$0x2] =	stream.indirect_vreg.gather [hbm4b:s8+s3], $0x80, v4, vm0, $0xb8;
	[tilespmem:$0x18200] =	vst v63  }
0x262: {  	v3 =	vperm.xlane v3, v2;
	s25 =	simm.s32 $0xAA00  }
0x263: {  	[tilespmem:s25], [sflag:$0x2] =	stream.indirect_vreg.gather [hbm4b:s9+s3], $0x80, v4, vm0, $0xb8;
	[tilespmem:$0x18200] =	vst v63  }
0x264: {  	v3 =	vadd.s32 v1, v3;
	s26 =	simm.s32 $0xB200  }
0x265: {  	[tilespmem:s26], [sflag:$0x2] =	stream.indirect_vreg.gather [hbm4b:s10+s3], $0x80, v4, vm0, $0xb8;
	[tilespmem:$0x18200] =	vst v63  }
0x266: {  	s28 =	simm.s32 $0xBA00  }
0x267: {  	[tilespmem:s28], [sflag:$0x2] =	stream.indirect_vreg.gather [hbm4b:s11+s3], $0x80, v4, vm0, $0xb8;
	[tilespmem:$0x18200] =	vst v63  }
0x268: {  	s23 =	simm.s32 $0xC200  }
0x269: {  	[tilespmem:s23], [sflag:$0x2] =	stream.indirect_vreg.gather [hbm4b:s1+s3], $0x80, v3, vm0, $0xb8;
	[tilespmem:$0x18200] =	vst v63  }
0x26a: {  	s25 =	simm.s32 $0xCA00  }
0x26b: {  	[tilespmem:s25], [sflag:$0x2] =	stream.indirect_vreg.gather [hbm4b:s5+s3], $0x80, v3, vm0, $0xb8;
	[tilespmem:$0x18200] =	vst v63  }
0x26c: {  	s26 =	simm.s32 $0xD200  }
0x26d: {  	[tilespmem:s26], [sflag:$0x2] =	stream.indirect_vreg.gather [hbm4b:s6+s3], $0x80, v3, vm0, $0xb8;
	[tilespmem:$0x18200] =	vst v63  }
0x26e: {  	s28 =	simm.s32 $0xDA00  }
0x26f: {  	[tilespmem:s28], [sflag:$0x2] =	stream.indirect_vreg.gather [hbm4b:s7+s3], $0x80, v3, vm0, $0xb8;
	[tilespmem:$0x18200] =	vst v63  }
0x270: {  	s23 =	simm.s32 $0xE200  }
0x271: {  	[tilespmem:s23], [sflag:$0x2] =	stream.indirect_vreg.gather [hbm4b:s8+s3], $0x80, v3, vm0, $0xb8;
	[tilespmem:$0x18200] =	vst v63  }
0x272: {  	s25 =	simm.s32 $0xEA00  }
0x273: {  	[tilespmem:s25], [sflag:$0x2] =	stream.indirect_vreg.gather [hbm4b:s9+s3], $0x80, v3, vm0, $0xb8;
	[tilespmem:$0x18200] =	vst v63  }
.Ltmp3:
0x274: {  	_ = 	snop;
	(pc) =	sbr.rel .LBB2_2-.Ltmp3, $4  }
0x275: {  	s26 =	simm.s32 $0xF200  }
0x276: {  	[tilespmem:s26], [sflag:$0x2] =	stream.indirect_vreg.gather [hbm4b:s10+s3], $0x80, v3, vm0, $0xb8;
	[tilespmem:$0x18200] =	vst v63  }
0x277: {  	s24 =	sadd.s32 $0x4000, s24;
	s22 =	sadd.s32 $0x40, s22;
	s28 =	simm.s32 $0xFA00  }
0x278: {  	[tilespmem:s28], [sflag:$0x2] =	stream.indirect_vreg.gather [hbm4b:s11+s3], $0x80, v3, vm0, $0xb8;
	[tilespmem:$0x18200] =	vst v63  }
.LBB2_5:
0x279: {  	_ =	sfence.sel $0x180000  }
0x27a: {  	[bflag:$0x0] =	sbarrier.arrive $0xFFFF  }
0x27b: {  	_ =	strace $0x90000047  }
0x27c: {  	s0 =	stileid.u32;
	[bflag:$0x2] =	sbarrier.arrive $0xFFFF  }
0x27d: {  	p0 =	sne.s32 s0, $0x0;
	s0 =	rddreg [dreg:$0x4]  }
0x27e: {  	s0 =	sadd.s32 @!p0 $0x100000, s0  }
0x27f: {  	[sflag:s0] =	ssyncadd.tile.s32 @!p0 $0x1;
	_ =	shalt  }
.Lfunc_end2:
_tile_overlayer_lowered:
.L_overlay_start_2:
0x280: {  	(tag) =	ssettag $0x2  }
0x281: {  	s0 =	rddreg [dreg:$0x0];
	s2 =	stileid.u32  }
0x282: {  	s1 =	rddreg [dreg:$0x1];
	p0 =	sne.s32 s2, $0x0  }
0x283: {  	s3 =	rddreg [dreg:$0x2];
	[bflag:$0x3] =	sbarrier.arrive $0xFFFF;
	s2 =	simm.s32 @!p0 $0x1C09  }
0x284: {  	[timem:s3], [sflag:s2] =	dma.local @!p0 [hbm:s0], s1  }
0x285: {  	s0 =	simm.s32 @!p0 $0x9  }
0x286: {  	_ =	swait.ge @!p0 [sflag:s0], s1  }
0x287: {  	s1 =	ssub.s32 @!p0 $0x0, s1;
	[sflag:s0] =	ssyncset.done @!p0 $0x0  }
0x288: {  	[sflag:s0] =	ssyncadd.s32 @!p0 s1  }
0x289: {  	[bflag:$0x3] =	sbarrier.arrive $0xFFFF  }
0x28a: {  	_ =	shalt  }

</sc_bundles>
